<compile_context>
chip_gen: v7x
topology: tpu7x:2x2x1
jax: 0.10.2.dev20260603
libtpu: 0.0.44.dev20260713+nightly
codegen_flags: <defaults>
</compile_context>

<pallas_src>
import functools

import jax
import jax.numpy as jnp
from jax import lax
from jax.experimental import pallas as pl
from jax.experimental.pallas import tpu as pltpu
from jax.experimental.pallas import tpu_sc as plsc

BN = 32
NPC = 2048
S1PC = 512
S2PC = 256
NTOT = BN * NPC
S1N = BN * S1PC
S2N = BN * S2PC
HALO = 32
BLK1 = 512
BLK2 = 256
W1 = BLK1 + HALO
W2 = BLK2 + HALO
SENT = 0x3FFFFFFF
NC = 2
NS = 16
NW = NC * NS
CHUNK = 128
F32 = jnp.float32
BF16 = jnp.bfloat16
I32 = jnp.int32


@functools.lru_cache(maxsize=None)
def _mesh_kw():
    return dict(mesh=plsc.VectorSubcoreMesh(core_axis_name="c",
                                            subcore_axis_name="s"))



def _fire_gather(table, idx_v, j, buf, sem):
    return pltpu.async_copy(table.at[idx_v.at[pl.ds(j * CHUNK, CHUNK)]],
                            buf, sem)


def _fire_wo(out, base, j, buf, sem):
    pltpu.async_copy(buf, out.at[pl.ds(base + j * CHUNK, CHUNK)], sem)


def _wait_wo(out, base, buf, sem):
    pltpu.make_async_copy(buf, out.at[pl.ds(base, CHUNK)], sem).wait()


def _make_sc_gather2(m_total, da, db, dtype=F32):
    m = m_total // NW
    n = m // CHUNK
    npairs = n // 2

    def body(ta, tb, iah, ibh, oa, ob, ia_v, ib_v,
             bufA0, bufB0, bufA1, bufB1,
             sgA0, sgB0, sgA1, sgB1, swA0, swB0, swA1, swB1):
        wid = lax.axis_index("s") * NC + lax.axis_index("c")
        base = wid * m
        pltpu.sync_copy(iah.at[pl.ds(base, m)], ia_v)
        pltpu.sync_copy(ibh.at[pl.ds(base, m)], ib_v)

        def pair_body(p, carry):
            j0 = 2 * p
            j1 = j0 + 1

            @pl.when(p > 0)
            def _():
                _wait_wo(oa, base, bufA0, swA0)
                _wait_wo(ob, base, bufB0, swB0)
                _wait_wo(oa, base, bufA1, swA1)
                _wait_wo(ob, base, bufB1, swB1)

            hA0 = _fire_gather(ta, ia_v, j0, bufA0, sgA0)
            hB0 = _fire_gather(tb, ib_v, j0, bufB0, sgB0)
            hA1 = _fire_gather(ta, ia_v, j1, bufA1, sgA1)
            hB1 = _fire_gather(tb, ib_v, j1, bufB1, sgB1)
            hA0.wait()
            _fire_wo(oa, base, j0, bufA0, swA0)
            hB0.wait()
            _fire_wo(ob, base, j0, bufB0, swB0)
            hA1.wait()
            _fire_wo(oa, base, j1, bufA1, swA1)
            hB1.wait()
            _fire_wo(ob, base, j1, bufB1, swB1)
            return carry

        lax.fori_loop(0, npairs, pair_body, 0)
        if n % 2:
            j = n - 1
            if npairs > 0:
                _wait_wo(oa, base, bufA0, swA0)
                _wait_wo(ob, base, bufB0, swB0)
            hA = _fire_gather(ta, ia_v, j, bufA0, sgA0)
            hB = _fire_gather(tb, ib_v, j, bufB0, sgB0)
            hA.wait()
            _fire_wo(oa, base, j, bufA0, swA0)
            hB.wait()
            _fire_wo(ob, base, j, bufB0, swB0)
        if n >= 1:
            _wait_wo(oa, base, bufA0, swA0)
            _wait_wo(ob, base, bufB0, swB0)
        if npairs >= 1:
            _wait_wo(oa, base, bufA1, swA1)
            _wait_wo(ob, base, bufB1, swB1)

    def run(ta, tb, ia, ib):
        return pl.kernel(
            body,
            out_type=(jax.ShapeDtypeStruct((m_total, da), dtype),
                      jax.ShapeDtypeStruct((m_total, db), dtype)),
            scratch_types=[
                pltpu.VMEM((m,), I32),
                pltpu.VMEM((m,), I32),
                pltpu.VMEM((CHUNK, da), dtype),
                pltpu.VMEM((CHUNK, db), dtype),
                pltpu.VMEM((CHUNK, da), dtype),
                pltpu.VMEM((CHUNK, db), dtype),
            ] + [pltpu.SemaphoreType.DMA] * 8,
            **_mesh_kw(),
        )(ta, tb, ia, ib)

    return run



def _two_mats_kernel(x_ref, wa_ref, ba_ref, wb_ref, bb_ref, o1_ref, o2_ref):
    x = x_ref[...]
    o1_ref[...] = jnp.dot(x, wa_ref[...],
                          preferred_element_type=F32) + ba_ref[...]
    o2_ref[...] = jnp.dot(x, wb_ref[...],
                          preferred_element_type=F32) + bb_ref[...]


def _two_mats(x, wa, ba, wb, bb, blk):
    n = x.shape[0]
    da, db = wa.shape[1], wb.shape[1]
    return pl.pallas_call(
        _two_mats_kernel,
        grid=(n // blk,),
        in_specs=[
            pl.BlockSpec((blk, x.shape[1]), lambda i: (i, 0)),
            pl.BlockSpec((wa.shape[0], da), lambda i: (0, 0)),
            pl.BlockSpec((1, da), lambda i: (0, 0)),
            pl.BlockSpec((wb.shape[0], db), lambda i: (0, 0)),
            pl.BlockSpec((1, db), lambda i: (0, 0)),
        ],
        out_specs=[pl.BlockSpec((blk, da), lambda i: (i, 0)),
                   pl.BlockSpec((blk, db), lambda i: (i, 0))],
        out_shape=[jax.ShapeDtypeStruct((n, da), F32),
                   jax.ShapeDtypeStruct((n, db), F32)],
    )(x, wa, ba.reshape(1, -1), wb, bb.reshape(1, -1))


def _head_kernel(x_ref, idx_ref, wa_ref, ba_ref, wb_ref, bb_ref,
                 wv_ref, bv_ref, o1_ref, obd_ref, ov_ref):
    i = pl.program_id(0)
    x = x_ref[...]
    o1_ref[...] = jnp.dot(x, wa_ref[...],
                          preferred_element_type=F32) + ba_ref[...]
    t1b = jnp.dot(x, wb_ref[...],
                  preferred_element_type=F32) + bb_ref[...]
    local = idx_ref[...] - i * NPC
    oh = (lax.broadcasted_iota(I32, (S1PC, NPC), 1) == local).astype(BF16)
    t1bd = jnp.dot(oh, t1b.astype(BF16), preferred_element_type=F32)
    obd_ref[...] = t1bd
    ov_ref[...] = jnp.dot(t1bd, wv_ref[...],
                          preferred_element_type=F32) + bv_ref[...]


def _head(pos16, idx1_2d, wa, ba, wb, bb, wv, bv):
    return pl.pallas_call(
        _head_kernel,
        grid=(BN,),
        in_specs=[
            pl.BlockSpec((NPC, 16), lambda i: (i, 0)),
            pl.BlockSpec((S1PC, 1), lambda i: (i, 0)),
            pl.BlockSpec((16, 128), lambda i: (0, 0)),
            pl.BlockSpec((1, 128), lambda i: (0, 0)),
            pl.BlockSpec((16, 128), lambda i: (0, 0)),
            pl.BlockSpec((1, 128), lambda i: (0, 0)),
            pl.BlockSpec((128, 256), lambda i: (0, 0)),
            pl.BlockSpec((1, 256), lambda i: (0, 0)),
        ],
        out_specs=[pl.BlockSpec((NPC, 128), lambda i: (i, 0)),
                   pl.BlockSpec((S1PC, 128), lambda i: (i, 0)),
                   pl.BlockSpec((S1PC, 256), lambda i: (i, 0))],
        out_shape=[jax.ShapeDtypeStruct((NTOT, 128), F32),
                   jax.ShapeDtypeStruct((S1N, 128), F32),
                   jax.ShapeDtypeStruct((S1N, 256), F32)],
    )(pos16, idx1_2d, wa, ba.reshape(1, -1), wb, bb.reshape(1, -1),
      wv, bv.reshape(1, -1))


def _suffix_max(r, d):
    for k in (1, 2, 4, 8, 16):
        r_sh = jnp.concatenate([r[k:], r[:k]], axis=0)
        d_sh = jnp.concatenate([d[k:], d[:k]], axis=0)
        m = d_sh[:, 0:1] == d[:, 0:1]
        r = jnp.where(m, jnp.maximum(r, r_sh), r)
    return r


def _pick_accumulate(xref, fv, contrib):
    @pl.when(fv == 1)
    def _():
        xref[...] = contrib

    @pl.when(fv == 0)
    def _():
        xref[...] = jnp.maximum(xref[...], contrib)


def _edge_stage1_kernel(cb_ref, fa_ref, fb_ref,
                        gsc_ref, gsn_ref, gdc_ref, gdn_ref, dc_ref, dn_ref,
                        w2_ref, b2_ref, w3_ref, b3_ref, xa_ref, xb_ref):
    i = pl.program_id(0)
    g = jnp.concatenate(
        [gsc_ref[...][:, :64] + gdc_ref[...][:, :64],
         gsn_ref[...][:HALO, :64] + gdn_ref[...][:HALO, :64]], axis=0)
    d = jnp.concatenate([dc_ref[...], dn_ref[...][:HALO]], axis=0)
    h = jax.nn.relu(g)
    h = jax.nn.relu(jnp.dot(h, w2_ref[...], preferred_element_type=F32)
                    + b2_ref[...])
    r = jax.nn.relu(jnp.dot(h, w3_ref[...], preferred_element_type=F32)
                    + b3_ref[...])
    r = _suffix_max(r, d)
    row = lax.broadcasted_iota(I32, (W1, 1), 0)
    first = (d[:, 0:1] != d[:, 1:2]) & (row < BLK1)
    dv = d[:, 0:1]
    ca = lax.broadcasted_iota(I32, (W1, S1PC), 1) + cb_ref[i] * S1PC
    rb = r.astype(BF16)
    oha = ((dv == ca) & first).astype(BF16)
    contrib_a = lax.dot_general(oha, rb, (((0,), (0,)), ((), ())),
                                preferred_element_type=F32)
    _pick_accumulate(xa_ref, fa_ref[i], contrib_a)
    cbb = jnp.minimum(cb_ref[i] + 1, BN - 1)
    cb2 = lax.broadcasted_iota(I32, (W1, S1PC), 1) + cbb * S1PC
    ohb = ((dv == cb2) & first).astype(BF16)
    contrib_b = lax.dot_general(ohb, rb, (((0,), (0,)), ((), ())),
                                preferred_element_type=F32)
    _pick_accumulate(xb_ref, fb_ref[i], contrib_b)


def _edge_stage1(cb, fa, fb, gs, gd, d8, w2, b2, w3, b3):
    grid = cb.shape[0]
    grid_spec = pltpu.PrefetchScalarGridSpec(
        num_scalar_prefetch=3,
        grid=(grid,),
        in_specs=[
            pl.BlockSpec((BLK1, 128), lambda i, *_: (i, 0)),
            pl.BlockSpec((BLK1, 128), lambda i, *_: (i + 1, 0)),
            pl.BlockSpec((BLK1, 128), lambda i, *_: (i, 0)),
            pl.BlockSpec((BLK1, 128), lambda i, *_: (i + 1, 0)),
            pl.BlockSpec((BLK1, 8), lambda i, *_: (i, 0)),
            pl.BlockSpec((BLK1, 8), lambda i, *_: (i + 1, 0)),
            pl.BlockSpec((64, 64), lambda i, *_: (0, 0)),
            pl.BlockSpec((1, 64), lambda i, *_: (0, 0)),
            pl.BlockSpec((64, 128), lambda i, *_: (0, 0)),
            pl.BlockSpec((1, 128), lambda i, *_: (0, 0)),
        ],
        out_specs=[
            pl.BlockSpec((S1PC, 128), lambda i, cb_, fa_, fb_: (cb_[i], 0)),
            pl.BlockSpec((S1PC, 128),
                         lambda i, cb_, fa_, fb_:
                         (jnp.minimum(cb_[i] + 1, BN - 1), 0)),
        ],
    )
    return pl.pallas_call(
        _edge_stage1_kernel,
        grid_spec=grid_spec,
        out_shape=[jax.ShapeDtypeStruct((S1N, 128), F32),
                   jax.ShapeDtypeStruct((S1N, 128), F32)],
    )(cb, fa, fb, gs, gs, gd, gd, d8, d8,
      w2, b2.reshape(1, -1), w3, b3.reshape(1, -1))


def _tables2_kernel(xa_ref, xb_ref, t1bd_ref, v2b_ref, idx2_ref,
                    wa_ref, wb_ref, ot_ref, obd_ref):
    i = pl.program_id(0)
    xa = xa_ref[...]
    x1 = jnp.where(i == 0, xa, jnp.maximum(xa, xb_ref[...]))
    ot_ref[...] = (jnp.dot(x1, wa_ref[...], preferred_element_type=F32)
                   + jnp.dot(t1bd_ref[...], wb_ref[...],
                             preferred_element_type=F32))
    local2 = idx2_ref[...] - i * S1PC
    oh2 = (lax.broadcasted_iota(I32, (S2PC, S1PC), 1) == local2).astype(BF16)
    obd_ref[...] = jnp.dot(oh2, v2b_ref[...].astype(BF16),
                           preferred_element_type=F32)


def _tables2(xa, xb, t1bd, v2b, idx2_2d, wa, wb):
    return pl.pallas_call(
        _tables2_kernel,
        grid=(BN,),
        in_specs=[
            pl.BlockSpec((S1PC, 128), lambda i: (i, 0)),
            pl.BlockSpec((S1PC, 128), lambda i: (i, 0)),
            pl.BlockSpec((S1PC, 128), lambda i: (i, 0)),
            pl.BlockSpec((S1PC, 256), lambda i: (i, 0)),
            pl.BlockSpec((S2PC, 1), lambda i: (i, 0)),
            pl.BlockSpec((128, 128), lambda i: (0, 0)),
            pl.BlockSpec((128, 128), lambda i: (0, 0)),
        ],
        out_specs=[pl.BlockSpec((S1PC, 128), lambda i: (i, 0)),
                   pl.BlockSpec((S2PC, 256), lambda i: (i, 0))],
        out_shape=[jax.ShapeDtypeStruct((S1N, 128), F32),
                   jax.ShapeDtypeStruct((S2N, 256), F32)],
    )(xa, xb, t1bd, v2b, idx2_2d, wa, wb)


def _edge_stage2_kernel(cb_ref, fa_ref, fb_ref,
                        tsa_ref, tsb_ref, tba_ref, tbb_ref,
                        esc_ref, esn_ref, dc_ref, dn_ref,
                        w2_ref, b2_ref, w3_ref, b3_ref, xa_ref, xb_ref):
    i = pl.program_id(0)
    ts = jnp.concatenate([tsa_ref[...], tsb_ref[...]], axis=0)
    tb = jnp.concatenate([tba_ref[...], tbb_ref[...]], axis=0)
    es = jnp.concatenate([esc_ref[...], esn_ref[...][:HALO]], axis=0)
    d = jnp.concatenate([dc_ref[...], dn_ref[...][:HALO]], axis=0)
    srcbase = cb_ref[i] * S1PC
    ohs = ((lax.broadcasted_iota(I32, (W2, 2 * S1PC), 1) + srcbase)
           == es[:, 0:1]).astype(BF16)
    gs = jnp.dot(ohs, ts.astype(BF16), preferred_element_type=F32)
    dstbase = cb_ref[i] * S2PC
    ohd = ((lax.broadcasted_iota(I32, (W2, 2 * S2PC), 1) + dstbase)
           == d[:, 0:1]).astype(BF16)
    gd = jnp.dot(ohd, tb.astype(BF16), preferred_element_type=F32)
    h = jax.nn.relu(gs + gd[:, :128])
    h = jax.nn.relu(jnp.dot(h, w2_ref[...], preferred_element_type=F32)
                    + b2_ref[...])
    r = jax.nn.relu(jnp.dot(h, w3_ref[...], preferred_element_type=F32)
                    + b3_ref[...])
    r = _suffix_max(r, d)
    row = lax.broadcasted_iota(I32, (W2, 1), 0)
    first = (d[:, 0:1] != d[:, 1:2]) & (row < BLK2)
    dv = d[:, 0:1]
    ca = lax.broadcasted_iota(I32, (W2, S2PC), 1) + cb_ref[i] * S2PC
    rb = r.astype(BF16)
    oha = ((dv == ca) & first).astype(BF16)
    contrib_a = lax.dot_general(oha, rb, (((0,), (0,)), ((), ())),
                                preferred_element_type=F32)
    _pick_accumulate(xa_ref, fa_ref[i], contrib_a)
    cbb = jnp.minimum(cb_ref[i] + 1, BN - 1)
    cb2 = lax.broadcasted_iota(I32, (W2, S2PC), 1) + cbb * S2PC
    ohb = ((dv == cb2) & first).astype(BF16)
    contrib_b = lax.dot_general(ohb, rb, (((0,), (0,)), ((), ())),
                                preferred_element_type=F32)
    _pick_accumulate(xb_ref, fb_ref[i], contrib_b)


def _edge_stage2(cb, fa, fb, t2src, t2bd, es8, d8, w2, b2, w3, b3):
    grid = cb.shape[0]

    def _cla(i, cb_, fa_, fb_):
        return (cb_[i], 0)

    def _clb(i, cb_, fa_, fb_):
        return (jnp.minimum(cb_[i] + 1, BN - 1), 0)

    grid_spec = pltpu.PrefetchScalarGridSpec(
        num_scalar_prefetch=3,
        grid=(grid,),
        in_specs=[
            pl.BlockSpec((S1PC, 128), _cla),
            pl.BlockSpec((S1PC, 128), _clb),
            pl.BlockSpec((S2PC, 256), _cla),
            pl.BlockSpec((S2PC, 256), _clb),
            pl.BlockSpec((BLK2, 8), lambda i, *_: (i, 0)),
            pl.BlockSpec((BLK2, 8), lambda i, *_: (i + 1, 0)),
            pl.BlockSpec((BLK2, 8), lambda i, *_: (i, 0)),
            pl.BlockSpec((BLK2, 8), lambda i, *_: (i + 1, 0)),
            pl.BlockSpec((128, 128), lambda i, *_: (0, 0)),
            pl.BlockSpec((1, 128), lambda i, *_: (0, 0)),
            pl.BlockSpec((128, 256), lambda i, *_: (0, 0)),
            pl.BlockSpec((1, 256), lambda i, *_: (0, 0)),
        ],
        out_specs=[
            pl.BlockSpec((S2PC, 256), _cla),
            pl.BlockSpec((S2PC, 256), _clb),
        ],
    )
    return pl.pallas_call(
        _edge_stage2_kernel,
        grid_spec=grid_spec,
        out_shape=[jax.ShapeDtypeStruct((S2N, 256), F32),
                   jax.ShapeDtypeStruct((S2N, 256), F32)],
    )(cb, fa, fb, t2src, t2src, t2bd, t2bd, es8, es8, d8, d8,
      w2, b2.reshape(1, -1), w3, b3.reshape(1, -1))


def _stage3_kernel(xa_ref, xb_ref, p_ref, wa_ref, wb_ref, b1_ref,
                   w2_ref, b2_ref, w3_ref, b3_ref, o_ref):
    i = pl.program_id(0)
    row = lax.broadcasted_iota(I32, (8 * S2PC, 1), 0)
    xa = xa_ref[...]
    x2 = jnp.where((i == 0) & (row < S2PC), xa,
                   jnp.maximum(xa, xb_ref[...]))
    h = jax.nn.relu(jnp.dot(x2, wa_ref[...], preferred_element_type=F32)
                    + jnp.dot(p_ref[...], wb_ref[...],
                              preferred_element_type=F32)
                    + b1_ref[...])
    h = jax.nn.relu(jnp.dot(h, w2_ref[...], preferred_element_type=F32)
                    + b2_ref[...])
    h = jax.nn.relu(jnp.dot(h, w3_ref[...], preferred_element_type=F32)
                    + b3_ref[...])
    o_ref[...] = jnp.max(h.reshape(8, S2PC, h.shape[1]), axis=1)


def _stage3(xa, xb, p, wa, wb, b1, w2, b2, w3, b3):
    dout = w3.shape[1]
    return pl.pallas_call(
        _stage3_kernel,
        grid=(BN // 8,),
        in_specs=[
            pl.BlockSpec((8 * S2PC, xa.shape[1]), lambda i: (i, 0)),
            pl.BlockSpec((8 * S2PC, xb.shape[1]), lambda i: (i, 0)),
            pl.BlockSpec((8 * S2PC, p.shape[1]), lambda i: (i, 0)),
            pl.BlockSpec((wa.shape[0], wa.shape[1]), lambda i: (0, 0)),
            pl.BlockSpec((wb.shape[0], wb.shape[1]), lambda i: (0, 0)),
            pl.BlockSpec((1, b1.shape[0]), lambda i: (0, 0)),
            pl.BlockSpec((w2.shape[0], w2.shape[1]), lambda i: (0, 0)),
            pl.BlockSpec((1, b2.shape[0]), lambda i: (0, 0)),
            pl.BlockSpec((w3.shape[0], dout), lambda i: (0, 0)),
            pl.BlockSpec((1, dout), lambda i: (0, 0)),
        ],
        out_specs=pl.BlockSpec((8, dout), lambda i: (i, 0)),
        out_shape=jax.ShapeDtypeStruct((BN, dout), F32),
    )(xa, xb, p, wa, wb, b1.reshape(1, -1), w2, b2.reshape(1, -1),
      w3, b3.reshape(1, -1))


def _pad16(w):
    return jnp.concatenate([w, jnp.zeros((16 - w.shape[0], w.shape[1]), F32)],
                           axis=0)


def _edge_cols(vals, prev0):
    prev = jnp.concatenate([jnp.full((1,), prev0, I32), vals[:-1]])
    rest = jnp.broadcast_to(vals[:, None], (vals.shape[0], 6))
    return jnp.concatenate([vals[:, None], prev[:, None], rest], axis=1)


def _block_meta(dst_cb, blk, per_cloud):
    cb = (dst_cb[::blk] // per_cloud).astype(I32)
    cbm = jnp.concatenate([cb[:1], cb[:-1]])
    fa = (cb != cbm).astype(I32).at[0].set(1)
    bi = jnp.minimum(cb + 1, BN - 1)
    bim = jnp.concatenate([bi[:1], bi[:-1]])
    fb = (bi != bim).astype(I32).at[0].set(1)
    return cb, fa, fb


def kernel(pos, batch, idx1, e1_src, e1_dst, idx2, e2_src, e2_dst,
           params1, params2, params3):
    (w11, b11), (w12, b12), (w13, b13) = params1
    (w21, b21), (w22, b22), (w23, b23) = params2
    (w31, b31), (w32, b32), (w33, b33) = params3

    pos16 = jnp.pad(pos.astype(F32), ((0, 0), (0, 13)))

    w1s = _pad16(w11[:3] + w11[3:])
    w1d = _pad16(-w11[3:])
    eye16 = jnp.eye(16, dtype=F32)
    wA1 = jnp.concatenate([w1s, jnp.zeros((16, 64), F32)], axis=1)
    bA1 = jnp.zeros((128,), F32)
    wB1 = jnp.concatenate([w1d, eye16, jnp.zeros((16, 48), F32)], axis=1)
    bB1 = jnp.concatenate([b11, jnp.zeros((64,), F32)])
    w21a = w21[:128]
    w21bp128 = jnp.zeros((128, 128), F32).at[64:80].set(_pad16(w21[128:]))
    wv2 = jnp.zeros((128, 256), F32)
    wv2 = wv2.at[:, :128].set(-w21bp128)
    wv2 = wv2.at[64:80, 128:144].set(eye16)
    bv2 = jnp.concatenate([b21, jnp.zeros((128,), F32)])
    w31a = w31[:256]
    w31b256 = jnp.zeros((256, 256), F32).at[128:144].set(_pad16(w31[256:]))

    e1 = e1_src.shape[0]
    e2 = e2_src.shape[0]
    tot1 = ((e1 + 1024 + 4095) // 4096) * 4096
    tot2 = ((e2 + 512 + 255) // 256) * 256
    e1s_p = jnp.pad(e1_src.astype(I32), (0, tot1 - e1))
    e1d_p = jnp.pad(e1_dst.astype(I32), (0, tot1 - e1))
    d1_sent = jnp.pad(e1_dst.astype(I32), (0, tot1 - e1),
                      constant_values=SENT)
    d2_sent = jnp.pad(e2_dst.astype(I32), (0, tot2 - e2),
                      constant_values=SENT)
    e2s_pad = jnp.pad(e2_src.astype(I32), (0, tot2 - e2))
    d1_8 = _edge_cols(d1_sent, -1)
    d2_8 = _edge_cols(d2_sent, -1)
    es2_8 = jnp.broadcast_to(e2s_pad[:, None], (tot2, 8))
    e1d_cb = jnp.pad(e1_dst.astype(I32), (0, tot1 - e1),
                     constant_values=S1N - 1)
    e2d_cb = jnp.pad(e2_dst.astype(I32), (0, tot2 - e2),
                     constant_values=S2N - 1)
    g1 = (e1 + BLK1 - 1) // BLK1
    g2 = (e2 + BLK2 - 1) // BLK2
    cb1, fa1, fb1 = _block_meta(e1d_cb[:g1 * BLK1], BLK1, S1PC)
    cb2, fa2, fb2 = _block_meta(e2d_cb[:g2 * BLK2], BLK2, S2PC)
    idx1_2d = idx1.astype(I32)[:, None]
    idx2_2d = idx2.astype(I32)[:, None]

    t1, t1bd, v2b = _head(pos16, idx1_2d, wA1, bA1, wB1, bB1, wv2, bv2)
    gs1, gd1 = _make_sc_gather2(tot1, 128, 128)(t1, t1bd, e1s_p, e1d_p)
    x1a, x1b = _edge_stage1(cb1, fa1, fb1, gs1, gd1, d1_8,
                            w12, b12, w13, b13)

    t2src, t2bd = _tables2(x1a, x1b, t1bd, v2b, idx2_2d, w21a, w21bp128)
    x2a, x2b = _edge_stage2(cb2, fa2, fb2, t2src, t2bd, es2_8, d2_8,
                            w22, b22, w23, b23)

    return _stage3(x2a, x2b, t2bd, w31a, w31b256, b31, w32, b32, w33, b33)

# --- scband reference (transcript-rebuilt; emitter-appended) ---
"""Pipeline reference for scband-pyramid-net-90872918049014 (READ-ONLY COPY).

The authoritative reference and input builder live on the scoring server;
editing this copy changes nothing except your own understanding.
"""

import jax, jax.numpy as jnp
import numpy as np

B = 32
NPC = 2048
N = B * NPC
S1PC = 512
S2PC = 256
S1 = B * S1PC
S2 = B * S2PC


def _fps(pts, n):
    sel = np.zeros(n, dtype=np.int64)
    d = np.linalg.norm(pts - pts[0], axis=1)
    for i in range(1, n):
        sel[i] = int(np.argmax(d))
        d = np.minimum(d, np.linalg.norm(pts - pts[sel[i]], axis=1))
    return sel


def _radius(src_pts, ctr_pts, r, k):
    D = np.linalg.norm(ctr_pts[:, None, :] - src_pts[None, :, :], axis=-1)
    srcs, dsts = [], []
    for ci in range(ctr_pts.shape[0]):
        nb = np.nonzero(D[ci] <= r)[0]
        if nb.size > k:
            nb = nb[np.argsort(D[ci, nb])[:k]]
        srcs.append(nb.astype(np.int64))
        dsts.append(np.full(nb.size, ci, dtype=np.int64))
    return np.concatenate(srcs), np.concatenate(dsts)


def _mlp_params(rng, dims):
    ps = []
    for i in range(1, len(dims)):
        W = (rng.standard_normal((dims[i - 1], dims[i])) * np.sqrt(2.0 / dims[i - 1])).astype(np.float32)
        b = np.zeros(dims[i], dtype=np.float32)
        ps.append((jnp.asarray(W), jnp.asarray(b)))
    return ps


def setup_inputs():
    rng = np.random.default_rng(0)
    pos = rng.standard_normal((N, 3)).astype(np.float32)
    batch = np.repeat(np.arange(B, dtype=np.int64), NPC)
    idx1_l, e1s_l, e1d_l = [], [], []
    for c in range(B):
        p = pos[c * NPC:(c + 1) * NPC]
        sel = _fps(p, S1PC)
        s, d = _radius(p, p[sel], 0.2, 32)
        idx1_l.append(sel + c * NPC)
        e1s_l.append(s + c * NPC)
        e1d_l.append(d + c * S1PC)
    idx1 = np.concatenate(idx1_l)
    e1_src = np.concatenate(e1s_l)
    e1_dst = np.concatenate(e1d_l)
    pos1 = pos[idx1]
    idx2_l, e2s_l, e2d_l = [], [], []
    for c in range(B):
        p = pos1[c * S1PC:(c + 1) * S1PC]
        sel = _fps(p, S2PC)
        s, d = _radius(p, p[sel], 0.4, 32)
        idx2_l.append(sel + c * S1PC)
        e2s_l.append(s + c * S1PC)
        e2d_l.append(d + c * S2PC)
    idx2 = np.concatenate(idx2_l)
    e2_src = np.concatenate(e2s_l)
    e2_dst = np.concatenate(e2d_l)
    params1 = _mlp_params(rng, [6, 64, 64, 128])
    params2 = _mlp_params(rng, [131, 128, 128, 256])
    params3 = _mlp_params(rng, [259, 256, 512, 512])
    return {
        "pos": jnp.asarray(pos), "batch": jnp.asarray(batch),
        "idx1": jnp.asarray(idx1), "e1_src": jnp.asarray(e1_src), "e1_dst": jnp.asarray(e1_dst),
        "idx2": jnp.asarray(idx2), "e2_src": jnp.asarray(e2_src), "e2_dst": jnp.asarray(e2_dst),
        "params1": params1, "params2": params2, "params3": params3,
    }


def _mlp(params, x):
    for W, b in params:
        x = jax.nn.relu(x @ W + b)
    return x


def reference(pos, batch, idx1, e1_src, e1_dst, idx2, e2_src, e2_dst, params1, params2, params3):
    # SAModule 1: PointNetConv with max aggregation, x = pos
    pos1 = pos[idx1]
    m1 = _mlp(params1, jnp.concatenate([pos[e1_src], pos[e1_src] - pos1[e1_dst]], axis=-1))
    x1 = jax.ops.segment_max(m1, e1_dst, num_segments=S1)
    # SAModule 2
    pos2 = pos1[idx2]
    m2 = _mlp(params2, jnp.concatenate([x1[e2_src], pos1[e2_src] - pos2[e2_dst]], axis=-1))
    x2 = jax.ops.segment_max(m2, e2_dst, num_segments=S2)
    # GlobalSAModule: MLP on cat([x, pos]) then global max pool over batch
    x3 = _mlp(params3, jnp.concatenate([x2, pos2], axis=-1))
    batch2 = batch[idx1][idx2]
    out = jax.ops.segment_max(x3, batch2, num_segments=B)
    return out

if __name__ == "__main__":
    import jax
    _d = setup_inputs()
    print(jax.jit(kernel)(*tuple(_d.values())))

</pallas_src>

<mosaic_0001>
#map = affine_map<(d0, d1) -> (0, 0)>
#map1 = affine_map<(d0, d1) -> (0)>
module attributes {stable_mosaic.version = 14 : i64} {
  func.func @body(%arg0: i32, %arg1: i32, %arg2: memref<65536x128xf32, #tpu.memory_space<hbm>>, %arg3: memref<16384x128xf32, #tpu.memory_space<hbm>>, %arg4: memref<28672xi32, #tpu.memory_space<hbm>>, %arg5: memref<28672xi32, #tpu.memory_space<hbm>>, %arg6: memref<28672x128xf32, #tpu.memory_space<hbm>>, %arg7: memref<28672x128xf32, #tpu.memory_space<hbm>>, %arg8: memref<896xi32, #tpu.memory_space<vmem>>, %arg9: memref<896xi32, #tpu.memory_space<vmem>>, %arg10: memref<128x128xf32, #tpu.memory_space<vmem>>, %arg11: memref<128x128xf32, #tpu.memory_space<vmem>>, %arg12: memref<128x128xf32, #tpu.memory_space<vmem>>, %arg13: memref<128x128xf32, #tpu.memory_space<vmem>>, %arg14: memref<!tpu.dma_semaphore, #tpu.memory_space<semaphore_mem>>, %arg15: memref<!tpu.dma_semaphore, #tpu.memory_space<semaphore_mem>>, %arg16: memref<!tpu.dma_semaphore, #tpu.memory_space<semaphore_mem>>, %arg17: memref<!tpu.dma_semaphore, #tpu.memory_space<semaphore_mem>>, %arg18: memref<!tpu.dma_semaphore, #tpu.memory_space<semaphore_mem>>, %arg19: memref<!tpu.dma_semaphore, #tpu.memory_space<semaphore_mem>>, %arg20: memref<!tpu.dma_semaphore, #tpu.memory_space<semaphore_mem>>, %arg21: memref<!tpu.dma_semaphore, #tpu.memory_space<semaphore_mem>>) attributes {dimension_semantics = [#tpu.dimension_semantics<core_parallel>, #tpu.dimension_semantics<subcore_parallel>], iteration_bounds = array<i64: 2, 16>, scalar_prefetch = 0 : i64, scratch_operands = 14 : i64, tpu.core_type = #tpu.core_type<sc_vector_subcore>, window_params = [{transform_indices = #map}, {transform_indices = #map}, {transform_indices = #map1}, {transform_indices = #map1}, {transform_indices = #map}, {transform_indices = #map}]} {
    %mul3A = arith.constant 2 : i32
    %mul3A_0 = arith.muli %arg1, %mul3A : i32
    %add3A = arith.addi %mul3A_0, %arg0 : i32
    %mul3A_1 = arith.constant 896 : i32
    %mul3A_2 = arith.muli %add3A, %mul3A_1 : i32
    "tpu.region"() ({
      %run_scoped3A = tpu.sem_alloc : memref<!tpu.dma_semaphore, #tpu.memory_space<semaphore_mem>>
      %dma_start3A_62 = tpu.memref_slice %arg4[%mul3A_2] : memref<28672xi32, #tpu.memory_space<hbm>> -> memref<896xi32, #tpu.memory_space<hbm>>
      %dma_start3A_63 = tpu.memref_slice %arg4[%mul3A_2] : memref<28672xi32, #tpu.memory_space<hbm>> -> memref<896xi32, #tpu.memory_space<hbm>>
      tpu.enqueue_dma source(%dma_start3A_63 : memref<896xi32, #tpu.memory_space<hbm>>) target(%arg8 : memref<896xi32, #tpu.memory_space<vmem>>) target_semaphore(%run_scoped3A : memref<!tpu.dma_semaphore, #tpu.memory_space<semaphore_mem>>)
      %dma_wait3A_64 = tpu.memref_slice %arg4[%mul3A_2] : memref<28672xi32, #tpu.memory_space<hbm>> -> memref<896xi32, #tpu.memory_space<hbm>>
      %dma_wait3A_65 = tpu.memref_slice %arg4[%mul3A_2] : memref<28672xi32, #tpu.memory_space<hbm>> -> memref<896xi32, #tpu.memory_space<hbm>>
      tpu.wait_dma2 semaphore(%run_scoped3A : memref<!tpu.dma_semaphore, #tpu.memory_space<semaphore_mem>>) src(%dma_wait3A_65 : memref<896xi32, #tpu.memory_space<hbm>>) dst(%arg8 : memref<896xi32, #tpu.memory_space<vmem>>)
      tpu.yield
    }) : () -> ()
    "tpu.region"() ({
      %run_scoped3A = tpu.sem_alloc : memref<!tpu.dma_semaphore, #tpu.memory_space<semaphore_mem>>
      %dma_start3A_62 = tpu.memref_slice %arg5[%mul3A_2] : memref<28672xi32, #tpu.memory_space<hbm>> -> memref<896xi32, #tpu.memory_space<hbm>>
      %dma_start3A_63 = tpu.memref_slice %arg5[%mul3A_2] : memref<28672xi32, #tpu.memory_space<hbm>> -> memref<896xi32, #tpu.memory_space<hbm>>
      tpu.enqueue_dma source(%dma_start3A_63 : memref<896xi32, #tpu.memory_space<hbm>>) target(%arg9 : memref<896xi32, #tpu.memory_space<vmem>>) target_semaphore(%run_scoped3A : memref<!tpu.dma_semaphore, #tpu.memory_space<semaphore_mem>>)
      %dma_wait3A_64 = tpu.memref_slice %arg5[%mul3A_2] : memref<28672xi32, #tpu.memory_space<hbm>> -> memref<896xi32, #tpu.memory_space<hbm>>
      %dma_wait3A_65 = tpu.memref_slice %arg5[%mul3A_2] : memref<28672xi32, #tpu.memory_space<hbm>> -> memref<896xi32, #tpu.memory_space<hbm>>
      tpu.wait_dma2 semaphore(%run_scoped3A : memref<!tpu.dma_semaphore, #tpu.memory_space<semaphore_mem>>) src(%dma_wait3A_65 : memref<896xi32, #tpu.memory_space<hbm>>) dst(%arg9 : memref<896xi32, #tpu.memory_space<vmem>>)
      tpu.yield
    }) : () -> ()
    %scan3A = arith.constant 0 : i32
    %scan3A_3 = arith.constant 0 : i32
    %scan3A_4 = arith.constant 3 : i32
    %scan3A_5 = arith.addi %scan3A_3, %scan3A_4 : i32
    %scan3A_6 = arith.constant 1 : i32
    scf.for %scan3A_62 = %scan3A_3 to %scan3A_5 step %scan3A_6  : i32 {
      %mul3A_63 = arith.constant 2 : i32
      %mul3A_64 = arith.muli %mul3A_63, %scan3A_62 : i32
      %add3A_65 = arith.constant 1 : i32
      %add3A_66 = arith.addi %mul3A_64, %add3A_65 : i32
      %gt3A = arith.constant 0 : i32
      %gt3A_67 = arith.cmpi sgt, %scan3A_62, %gt3A : i32
      %convert_element_type3A = arith.extui %gt3A_67 : i1 to i32
      %cond3A = arith.constant 0 : i32
      %cond3A_68 = arith.cmpi ne, %convert_element_type3A, %cond3A : i32
      scf.if %cond3A_68 {
        %dma_wait3A_137 = arith.constant 0 : i32
        %dma_wait3A_138 = tpu.memref_slice %arg6[%mul3A_2, %dma_wait3A_137] : memref<28672x128xf32, #tpu.memory_space<hbm>> -> memref<128x128xf32, #tpu.memory_space<hbm>>
        %dma_wait3A_139 = arith.constant 0 : i32
        %dma_wait3A_140 = tpu.memref_slice %arg6[%mul3A_2, %dma_wait3A_139] : memref<28672x128xf32, #tpu.memory_space<hbm>> -> memref<128x128xf32, #tpu.memory_space<hbm>>
        tpu.wait_dma2 semaphore(%arg18 : memref<!tpu.dma_semaphore, #tpu.memory_space<semaphore_mem>>) src(%arg10 : memref<128x128xf32, #tpu.memory_space<vmem>>) dst(%dma_wait3A_140 : memref<128x128xf32, #tpu.memory_space<hbm>>)
        %dma_wait3A_141 = arith.constant 0 : i32
        %dma_wait3A_142 = tpu.memref_slice %arg7[%mul3A_2, %dma_wait3A_141] : memref<28672x128xf32, #tpu.memory_space<hbm>> -> memref<128x128xf32, #tpu.memory_space<hbm>>
        %dma_wait3A_143 = arith.constant 0 : i32
        %dma_wait3A_144 = tpu.memref_slice %arg7[%mul3A_2, %dma_wait3A_143] : memref<28672x128xf32, #tpu.memory_space<hbm>> -> memref<128x128xf32, #tpu.memory_space<hbm>>
        tpu.wait_dma2 semaphore(%arg19 : memref<!tpu.dma_semaphore, #tpu.memory_space<semaphore_mem>>) src(%arg11 : memref<128x128xf32, #tpu.memory_space<vmem>>) dst(%dma_wait3A_144 : memref<128x128xf32, #tpu.memory_space<hbm>>)
        %dma_wait3A_145 = arith.constant 0 : i32
        %dma_wait3A_146 = tpu.memref_slice %arg6[%mul3A_2, %dma_wait3A_145] : memref<28672x128xf32, #tpu.memory_space<hbm>> -> memref<128x128xf32, #tpu.memory_space<hbm>>
        %dma_wait3A_147 = arith.constant 0 : i32
        %dma_wait3A_148 = tpu.memref_slice %arg6[%mul3A_2, %dma_wait3A_147] : memref<28672x128xf32, #tpu.memory_space<hbm>> -> memref<128x128xf32, #tpu.memory_space<hbm>>
        tpu.wait_dma2 semaphore(%arg20 : memref<!tpu.dma_semaphore, #tpu.memory_space<semaphore_mem>>) src(%arg12 : memref<128x128xf32, #tpu.memory_space<vmem>>) dst(%dma_wait3A_148 : memref<128x128xf32, #tpu.memory_space<hbm>>)
        %dma_wait3A_149 = arith.constant 0 : i32
        %dma_wait3A_150 = tpu.memref_slice %arg7[%mul3A_2, %dma_wait3A_149] : memref<28672x128xf32, #tpu.memory_space<hbm>> -> memref<128x128xf32, #tpu.memory_space<hbm>>
        %dma_wait3A_151 = arith.constant 0 : i32
        %dma_wait3A_152 = tpu.memref_slice %arg7[%mul3A_2, %dma_wait3A_151] : memref<28672x128xf32, #tpu.memory_space<hbm>> -> memref<128x128xf32, #tpu.memory_space<hbm>>
        tpu.wait_dma2 semaphore(%arg21 : memref<!tpu.dma_semaphore, #tpu.memory_space<semaphore_mem>>) src(%arg13 : memref<128x128xf32, #tpu.memory_space<vmem>>) dst(%dma_wait3A_152 : memref<128x128xf32, #tpu.memory_space<hbm>>)
      } else {
      }
      %mul3A_69 = arith.constant 128 : i32
      %mul3A_70 = arith.muli %mul3A_64, %mul3A_69 : i32
      %dma_start3A_71 = tpu.memref_slice %arg8[%mul3A_70] : memref<896xi32, #tpu.memory_space<vmem>> -> memref<128xi32, #tpu.memory_space<vmem>>
      %dma_start3A_72 = arith.constant 0 : i32
      %dma_start3A_73 = arith.constant 0 : i32
      %dma_start3A_74 = tpu.memref_slice %arg2[%dma_start3A_72, %dma_start3A_73] : memref<65536x128xf32, #tpu.memory_space<hbm>> -> memref<65536x128xf32, #tpu.memory_space<hbm>>
      tpu.enqueue_indirect_dma source(%dma_start3A_74 : memref<65536x128xf32, #tpu.memory_space<hbm>>) target(%arg10 : memref<128x128xf32, #tpu.memory_space<vmem>>) offsets(%dma_start3A_71 : memref<128xi32, #tpu.memory_space<vmem>>) semaphore(%arg14 : memref<!tpu.dma_semaphore, #tpu.memory_space<semaphore_mem>>)
      %mul3A_75 = arith.constant 128 : i32
      %mul3A_76 = arith.muli %mul3A_64, %mul3A_75 : i32
      %dma_start3A_77 = tpu.memref_slice %arg9[%mul3A_76] : memref<896xi32, #tpu.memory_space<vmem>> -> memref<128xi32, #tpu.memory_space<vmem>>
      %dma_start3A_78 = arith.constant 0 : i32
      %dma_start3A_79 = arith.constant 0 : i32
      %dma_start3A_80 = tpu.memref_slice %arg3[%dma_start3A_78, %dma_start3A_79] : memref<16384x128xf32, #tpu.memory_space<hbm>> -> memref<16384x128xf32, #tpu.memory_space<hbm>>
      tpu.enqueue_indirect_dma source(%dma_start3A_80 : memref<16384x128xf32, #tpu.memory_space<hbm>>) target(%arg11 : memref<128x128xf32, #tpu.memory_space<vmem>>) offsets(%dma_start3A_77 : memref<128xi32, #tpu.memory_space<vmem>>) semaphore(%arg15 : memref<!tpu.dma_semaphore, #tpu.memory_space<semaphore_mem>>)
      %mul3A_81 = arith.constant 128 : i32
      %mul3A_82 = arith.muli %add3A_66, %mul3A_81 : i32
      %dma_start3A_83 = tpu.memref_slice %arg8[%mul3A_82] : memref<896xi32, #tpu.memory_space<vmem>> -> memref<128xi32, #tpu.memory_space<vmem>>
      %dma_start3A_84 = arith.constant 0 : i32
      %dma_start3A_85 = arith.constant 0 : i32
      %dma_start3A_86 = tpu.memref_slice %arg2[%dma_start3A_84, %dma_start3A_85] : memref<65536x128xf32, #tpu.memory_space<hbm>> -> memref<65536x128xf32, #tpu.memory_space<hbm>>
      tpu.enqueue_indirect_dma source(%dma_start3A_86 : memref<65536x128xf32, #tpu.memory_space<hbm>>) target(%arg12 : memref<128x128xf32, #tpu.memory_space<vmem>>) offsets(%dma_start3A_83 : memref<128xi32, #tpu.memory_space<vmem>>) semaphore(%arg16 : memref<!tpu.dma_semaphore, #tpu.memory_space<semaphore_mem>>)
      %mul3A_87 = arith.constant 128 : i32
      %mul3A_88 = arith.muli %add3A_66, %mul3A_87 : i32
      %dma_start3A_89 = tpu.memref_slice %arg9[%mul3A_88] : memref<896xi32, #tpu.memory_space<vmem>> -> memref<128xi32, #tpu.memory_space<vmem>>
      %dma_start3A_90 = arith.constant 0 : i32
      %dma_start3A_91 = arith.constant 0 : i32
      %dma_start3A_92 = tpu.memref_slice %arg3[%dma_start3A_90, %dma_start3A_91] : memref<16384x128xf32, #tpu.memory_space<hbm>> -> memref<16384x128xf32, #tpu.memory_space<hbm>>
      tpu.enqueue_indirect_dma source(%dma_start3A_92 : memref<16384x128xf32, #tpu.memory_space<hbm>>) target(%arg13 : memref<128x128xf32, #tpu.memory_space<vmem>>) offsets(%dma_start3A_89 : memref<128xi32, #tpu.memory_space<vmem>>) semaphore(%arg17 : memref<!tpu.dma_semaphore, #tpu.memory_space<semaphore_mem>>)
      %dma_wait3A_93 = tpu.memref_slice %arg8[%mul3A_70] : memref<896xi32, #tpu.memory_space<vmem>> -> memref<128xi32, #tpu.memory_space<vmem>>
      %dma_wait3A_94 = arith.constant 0 : i32
      %dma_wait3A_95 = arith.constant 0 : i32
      %dma_wait3A_96 = tpu.memref_slice %arg2[%dma_wait3A_94, %dma_wait3A_95] : memref<65536x128xf32, #tpu.memory_space<hbm>> -> memref<65536x128xf32, #tpu.memory_space<hbm>>
      tpu.wait_indirect_dma semaphore(%arg14 : memref<!tpu.dma_semaphore, #tpu.memory_space<semaphore_mem>>) src(%dma_wait3A_96 : memref<65536x128xf32, #tpu.memory_space<hbm>>) dst(%arg10 : memref<128x128xf32, #tpu.memory_space<vmem>>)
      %mul3A_97 = arith.constant 128 : i32
      %mul3A_98 = arith.muli %mul3A_64, %mul3A_97 : i32
      %add3A_99 = arith.addi %mul3A_2, %mul3A_98 : i32
      %dma_start3A_100 = arith.constant 0 : i32
      %dma_start3A_101 = tpu.memref_slice %arg6[%add3A_99, %dma_start3A_100] : memref<28672x128xf32, #tpu.memory_space<hbm>> -> memref<128x128xf32, #tpu.memory_space<hbm>>
      %dma_start3A_102 = arith.constant 0 : i32
      %dma_start3A_103 = tpu.memref_slice %arg6[%add3A_99, %dma_start3A_102] : memref<28672x128xf32, #tpu.memory_space<hbm>> -> memref<128x128xf32, #tpu.memory_space<hbm>>
      tpu.enqueue_dma source(%arg10 : memref<128x128xf32, #tpu.memory_space<vmem>>) target(%dma_start3A_103 : memref<128x128xf32, #tpu.memory_space<hbm>>) target_semaphore(%arg18 : memref<!tpu.dma_semaphore, #tpu.memory_space<semaphore_mem>>)
      %dma_wait3A_104 = tpu.memref_slice %arg9[%mul3A_76] : memref<896xi32, #tpu.memory_space<vmem>> -> memref<128xi32, #tpu.memory_space<vmem>>
      %dma_wait3A_105 = arith.constant 0 : i32
      %dma_wait3A_106 = arith.constant 0 : i32
      %dma_wait3A_107 = tpu.memref_slice %arg3[%dma_wait3A_105, %dma_wait3A_106] : memref<16384x128xf32, #tpu.memory_space<hbm>> -> memref<16384x128xf32, #tpu.memory_space<hbm>>
      tpu.wait_indirect_dma semaphore(%arg15 : memref<!tpu.dma_semaphore, #tpu.memory_space<semaphore_mem>>) src(%dma_wait3A_107 : memref<16384x128xf32, #tpu.memory_space<hbm>>) dst(%arg11 : memref<128x128xf32, #tpu.memory_space<vmem>>)
      %mul3A_108 = arith.constant 128 : i32
      %mul3A_109 = arith.muli %mul3A_64, %mul3A_108 : i32
      %add3A_110 = arith.addi %mul3A_2, %mul3A_109 : i32
      %dma_start3A_111 = arith.constant 0 : i32
      %dma_start3A_112 = tpu.memref_slice %arg7[%add3A_110, %dma_start3A_111] : memref<28672x128xf32, #tpu.memory_space<hbm>> -> memref<128x128xf32, #tpu.memory_space<hbm>>
      %dma_start3A_113 = arith.constant 0 : i32
      %dma_start3A_114 = tpu.memref_slice %arg7[%add3A_110, %dma_start3A_113] : memref<28672x128xf32, #tpu.memory_space<hbm>> -> memref<128x128xf32, #tpu.memory_space<hbm>>
      tpu.enqueue_dma source(%arg11 : memref<128x128xf32, #tpu.memory_space<vmem>>) target(%dma_start3A_114 : memref<128x128xf32, #tpu.memory_space<hbm>>) target_semaphore(%arg19 : memref<!tpu.dma_semaphore, #tpu.memory_space<semaphore_mem>>)
      %dma_wait3A_115 = tpu.memref_slice %arg8[%mul3A_82] : memref<896xi32, #tpu.memory_space<vmem>> -> memref<128xi32, #tpu.memory_space<vmem>>
      %dma_wait3A_116 = arith.constant 0 : i32
      %dma_wait3A_117 = arith.constant 0 : i32
      %dma_wait3A_118 = tpu.memref_slice %arg2[%dma_wait3A_116, %dma_wait3A_117] : memref<65536x128xf32, #tpu.memory_space<hbm>> -> memref<65536x128xf32, #tpu.memory_space<hbm>>
      tpu.wait_indirect_dma semaphore(%arg16 : memref<!tpu.dma_semaphore, #tpu.memory_space<semaphore_mem>>) src(%dma_wait3A_118 : memref<65536x128xf32, #tpu.memory_space<hbm>>) dst(%arg12 : memref<128x128xf32, #tpu.memory_space<vmem>>)
      %mul3A_119 = arith.constant 128 : i32
      %mul3A_120 = arith.muli %add3A_66, %mul3A_119 : i32
      %add3A_121 = arith.addi %mul3A_2, %mul3A_120 : i32
      %dma_start3A_122 = arith.constant 0 : i32
      %dma_start3A_123 = tpu.memref_slice %arg6[%add3A_121, %dma_start3A_122] : memref<28672x128xf32, #tpu.memory_space<hbm>> -> memref<128x128xf32, #tpu.memory_space<hbm>>
      %dma_start3A_124 = arith.constant 0 : i32
      %dma_start3A_125 = tpu.memref_slice %arg6[%add3A_121, %dma_start3A_124] : memref<28672x128xf32, #tpu.memory_space<hbm>> -> memref<128x128xf32, #tpu.memory_space<hbm>>
      tpu.enqueue_dma source(%arg12 : memref<128x128xf32, #tpu.memory_space<vmem>>) target(%dma_start3A_125 : memref<128x128xf32, #tpu.memory_space<hbm>>) target_semaphore(%arg20 : memref<!tpu.dma_semaphore, #tpu.memory_space<semaphore_mem>>)
      %dma_wait3A_126 = tpu.memref_slice %arg9[%mul3A_88] : memref<896xi32, #tpu.memory_space<vmem>> -> memref<128xi32, #tpu.memory_space<vmem>>
      %dma_wait3A_127 = arith.constant 0 : i32
      %dma_wait3A_128 = arith.constant 0 : i32
      %dma_wait3A_129 = tpu.memref_slice %arg3[%dma_wait3A_127, %dma_wait3A_128] : memref<16384x128xf32, #tpu.memory_space<hbm>> -> memref<16384x128xf32, #tpu.memory_space<hbm>>
      tpu.wait_indirect_dma semaphore(%arg17 : memref<!tpu.dma_semaphore, #tpu.memory_space<semaphore_mem>>) src(%dma_wait3A_129 : memref<16384x128xf32, #tpu.memory_space<hbm>>) dst(%arg13 : memref<128x128xf32, #tpu.memory_space<vmem>>)
      %mul3A_130 = arith.constant 128 : i32
      %mul3A_131 = arith.muli %add3A_66, %mul3A_130 : i32
      %add3A_132 = arith.addi %mul3A_2, %mul3A_131 : i32
      %dma_start3A_133 = arith.constant 0 : i32
      %dma_start3A_134 = tpu.memref_slice %arg7[%add3A_132, %dma_start3A_133] : memref<28672x128xf32, #tpu.memory_space<hbm>> -> memref<128x128xf32, #tpu.memory_space<hbm>>
      %dma_start3A_135 = arith.constant 0 : i32
      %dma_start3A_136 = tpu.memref_slice %arg7[%add3A_132, %dma_start3A_135] : memref<28672x128xf32, #tpu.memory_space<hbm>> -> memref<128x128xf32, #tpu.memory_space<hbm>>
      tpu.enqueue_dma source(%arg13 : memref<128x128xf32, #tpu.memory_space<vmem>>) target(%dma_start3A_136 : memref<128x128xf32, #tpu.memory_space<hbm>>) target_semaphore(%arg21 : memref<!tpu.dma_semaphore, #tpu.memory_space<semaphore_mem>>)
    }
    %scan3A_7 = arith.constant 3 : i32
    %dma_wait3A = arith.constant 0 : i32
    %dma_wait3A_8 = tpu.memref_slice %arg6[%mul3A_2, %dma_wait3A] : memref<28672x128xf32, #tpu.memory_space<hbm>> -> memref<128x128xf32, #tpu.memory_space<hbm>>
    %dma_wait3A_9 = arith.constant 0 : i32
    %dma_wait3A_10 = tpu.memref_slice %arg6[%mul3A_2, %dma_wait3A_9] : memref<28672x128xf32, #tpu.memory_space<hbm>> -> memref<128x128xf32, #tpu.memory_space<hbm>>
    tpu.wait_dma2 semaphore(%arg18 : memref<!tpu.dma_semaphore, #tpu.memory_space<semaphore_mem>>) src(%arg10 : memref<128x128xf32, #tpu.memory_space<vmem>>) dst(%dma_wait3A_10 : memref<128x128xf32, #tpu.memory_space<hbm>>)
    %dma_wait3A_11 = arith.constant 0 : i32
    %dma_wait3A_12 = tpu.memref_slice %arg7[%mul3A_2, %dma_wait3A_11] : memref<28672x128xf32, #tpu.memory_space<hbm>> -> memref<128x128xf32, #tpu.memory_space<hbm>>
    %dma_wait3A_13 = arith.constant 0 : i32
    %dma_wait3A_14 = tpu.memref_slice %arg7[%mul3A_2, %dma_wait3A_13] : memref<28672x128xf32, #tpu.memory_space<hbm>> -> memref<128x128xf32, #tpu.memory_space<hbm>>
    tpu.wait_dma2 semaphore(%arg19 : memref<!tpu.dma_semaphore, #tpu.memory_space<semaphore_mem>>) src(%arg11 : memref<128x128xf32, #tpu.memory_space<vmem>>) dst(%dma_wait3A_14 : memref<128x128xf32, #tpu.memory_space<hbm>>)
    %dma_start3A = arith.constant 768 : i32
    %dma_start3A_15 = tpu.memref_slice %arg8[%dma_start3A] : memref<896xi32, #tpu.memory_space<vmem>> -> memref<128xi32, #tpu.memory_space<vmem>>
    %dma_start3A_16 = arith.constant 0 : i32
    %dma_start3A_17 = arith.constant 0 : i32
    %dma_start3A_18 = tpu.memref_slice %arg2[%dma_start3A_16, %dma_start3A_17] : memref<65536x128xf32, #tpu.memory_space<hbm>> -> memref<65536x128xf32, #tpu.memory_space<hbm>>
    tpu.enqueue_indirect_dma source(%dma_start3A_18 : memref<65536x128xf32, #tpu.memory_space<hbm>>) target(%arg10 : memref<128x128xf32, #tpu.memory_space<vmem>>) offsets(%dma_start3A_15 : memref<128xi32, #tpu.memory_space<vmem>>) semaphore(%arg14 : memref<!tpu.dma_semaphore, #tpu.memory_space<semaphore_mem>>)
    %dma_start3A_19 = arith.constant 768 : i32
    %dma_start3A_20 = tpu.memref_slice %arg9[%dma_start3A_19] : memref<896xi32, #tpu.memory_space<vmem>> -> memref<128xi32, #tpu.memory_space<vmem>>
    %dma_start3A_21 = arith.constant 0 : i32
    %dma_start3A_22 = arith.constant 0 : i32
    %dma_start3A_23 = tpu.memref_slice %arg3[%dma_start3A_21, %dma_start3A_22] : memref<16384x128xf32, #tpu.memory_space<hbm>> -> memref<16384x128xf32, #tpu.memory_space<hbm>>
    tpu.enqueue_indirect_dma source(%dma_start3A_23 : memref<16384x128xf32, #tpu.memory_space<hbm>>) target(%arg11 : memref<128x128xf32, #tpu.memory_space<vmem>>) offsets(%dma_start3A_20 : memref<128xi32, #tpu.memory_space<vmem>>) semaphore(%arg15 : memref<!tpu.dma_semaphore, #tpu.memory_space<semaphore_mem>>)
    %dma_wait3A_24 = arith.constant 768 : i32
    %dma_wait3A_25 = tpu.memref_slice %arg8[%dma_wait3A_24] : memref<896xi32, #tpu.memory_space<vmem>> -> memref<128xi32, #tpu.memory_space<vmem>>
    %dma_wait3A_26 = arith.constant 0 : i32
    %dma_wait3A_27 = arith.constant 0 : i32
    %dma_wait3A_28 = tpu.memref_slice %arg2[%dma_wait3A_26, %dma_wait3A_27] : memref<65536x128xf32, #tpu.memory_space<hbm>> -> memref<65536x128xf32, #tpu.memory_space<hbm>>
    tpu.wait_indirect_dma semaphore(%arg14 : memref<!tpu.dma_semaphore, #tpu.memory_space<semaphore_mem>>) src(%dma_wait3A_28 : memref<65536x128xf32, #tpu.memory_space<hbm>>) dst(%arg10 : memref<128x128xf32, #tpu.memory_space<vmem>>)
    %add3A_29 = arith.constant 768 : i32
    %add3A_30 = arith.addi %mul3A_2, %add3A_29 : i32
    %dma_start3A_31 = arith.constant 0 : i32
    %dma_start3A_32 = tpu.memref_slice %arg6[%add3A_30, %dma_start3A_31] : memref<28672x128xf32, #tpu.memory_space<hbm>> -> memref<128x128xf32, #tpu.memory_space<hbm>>
    %dma_start3A_33 = arith.constant 0 : i32
    %dma_start3A_34 = tpu.memref_slice %arg6[%add3A_30, %dma_start3A_33] : memref<28672x128xf32, #tpu.memory_space<hbm>> -> memref<128x128xf32, #tpu.memory_space<hbm>>
    tpu.enqueue_dma source(%arg10 : memref<128x128xf32, #tpu.memory_space<vmem>>) target(%dma_start3A_34 : memref<128x128xf32, #tpu.memory_space<hbm>>) target_semaphore(%arg18 : memref<!tpu.dma_semaphore, #tpu.memory_space<semaphore_mem>>)
    %dma_wait3A_35 = arith.constant 768 : i32
    %dma_wait3A_36 = tpu.memref_slice %arg9[%dma_wait3A_35] : memref<896xi32, #tpu.memory_space<vmem>> -> memref<128xi32, #tpu.memory_space<vmem>>
    %dma_wait3A_37 = arith.constant 0 : i32
    %dma_wait3A_38 = arith.constant 0 : i32
    %dma_wait3A_39 = tpu.memref_slice %arg3[%dma_wait3A_37, %dma_wait3A_38] : memref<16384x128xf32, #tpu.memory_space<hbm>> -> memref<16384x128xf32, #tpu.memory_space<hbm>>
    tpu.wait_indirect_dma semaphore(%arg15 : memref<!tpu.dma_semaphore, #tpu.memory_space<semaphore_mem>>) src(%dma_wait3A_39 : memref<16384x128xf32, #tpu.memory_space<hbm>>) dst(%arg11 : memref<128x128xf32, #tpu.memory_space<vmem>>)
    %add3A_40 = arith.constant 768 : i32
    %add3A_41 = arith.addi %mul3A_2, %add3A_40 : i32
    %dma_start3A_42 = arith.constant 0 : i32
    %dma_start3A_43 = tpu.memref_slice %arg7[%add3A_41, %dma_start3A_42] : memref<28672x128xf32, #tpu.memory_space<hbm>> -> memref<128x128xf32, #tpu.memory_space<hbm>>
    %dma_start3A_44 = arith.constant 0 : i32
    %dma_start3A_45 = tpu.memref_slice %arg7[%add3A_41, %dma_start3A_44] : memref<28672x128xf32, #tpu.memory_space<hbm>> -> memref<128x128xf32, #tpu.memory_space<hbm>>
    tpu.enqueue_dma source(%arg11 : memref<128x128xf32, #tpu.memory_space<vmem>>) target(%dma_start3A_45 : memref<128x128xf32, #tpu.memory_space<hbm>>) target_semaphore(%arg19 : memref<!tpu.dma_semaphore, #tpu.memory_space<semaphore_mem>>)
    %dma_wait3A_46 = arith.constant 0 : i32
    %dma_wait3A_47 = tpu.memref_slice %arg6[%mul3A_2, %dma_wait3A_46] : memref<28672x128xf32, #tpu.memory_space<hbm>> -> memref<128x128xf32, #tpu.memory_space<hbm>>
    %dma_wait3A_48 = arith.constant 0 : i32
    %dma_wait3A_49 = tpu.memref_slice %arg6[%mul3A_2, %dma_wait3A_48] : memref<28672x128xf32, #tpu.memory_space<hbm>> -> memref<128x128xf32, #tpu.memory_space<hbm>>
    tpu.wait_dma2 semaphore(%arg18 : memref<!tpu.dma_semaphore, #tpu.memory_space<semaphore_mem>>) src(%arg10 : memref<128x128xf32, #tpu.memory_space<vmem>>) dst(%dma_wait3A_49 : memref<128x128xf32, #tpu.memory_space<hbm>>)
    %dma_wait3A_50 = arith.constant 0 : i32
    %dma_wait3A_51 = tpu.memref_slice %arg7[%mul3A_2, %dma_wait3A_50] : memref<28672x128xf32, #tpu.memory_space<hbm>> -> memref<128x128xf32, #tpu.memory_space<hbm>>
    %dma_wait3A_52 = arith.constant 0 : i32
    %dma_wait3A_53 = tpu.memref_slice %arg7[%mul3A_2, %dma_wait3A_52] : memref<28672x128xf32, #tpu.memory_space<hbm>> -> memref<128x128xf32, #tpu.memory_space<hbm>>
    tpu.wait_dma2 semaphore(%arg19 : memref<!tpu.dma_semaphore, #tpu.memory_space<semaphore_mem>>) src(%arg11 : memref<128x128xf32, #tpu.memory_space<vmem>>) dst(%dma_wait3A_53 : memref<128x128xf32, #tpu.memory_space<hbm>>)
    %dma_wait3A_54 = arith.constant 0 : i32
    %dma_wait3A_55 = tpu.memref_slice %arg6[%mul3A_2, %dma_wait3A_54] : memref<28672x128xf32, #tpu.memory_space<hbm>> -> memref<128x128xf32, #tpu.memory_space<hbm>>
    %dma_wait3A_56 = arith.constant 0 : i32
    %dma_wait3A_57 = tpu.memref_slice %arg6[%mul3A_2, %dma_wait3A_56] : memref<28672x128xf32, #tpu.memory_space<hbm>> -> memref<128x128xf32, #tpu.memory_space<hbm>>
    tpu.wait_dma2 semaphore(%arg20 : memref<!tpu.dma_semaphore, #tpu.memory_space<semaphore_mem>>) src(%arg12 : memref<128x128xf32, #tpu.memory_space<vmem>>) dst(%dma_wait3A_57 : memref<128x128xf32, #tpu.memory_space<hbm>>)
    %dma_wait3A_58 = arith.constant 0 : i32
    %dma_wait3A_59 = tpu.memref_slice %arg7[%mul3A_2, %dma_wait3A_58] : memref<28672x128xf32, #tpu.memory_space<hbm>> -> memref<128x128xf32, #tpu.memory_space<hbm>>
    %dma_wait3A_60 = arith.constant 0 : i32
    %dma_wait3A_61 = tpu.memref_slice %arg7[%mul3A_2, %dma_wait3A_60] : memref<28672x128xf32, #tpu.memory_space<hbm>> -> memref<128x128xf32, #tpu.memory_space<hbm>>
    tpu.wait_dma2 semaphore(%arg21 : memref<!tpu.dma_semaphore, #tpu.memory_space<semaphore_mem>>) src(%arg13 : memref<128x128xf32, #tpu.memory_space<vmem>>) dst(%dma_wait3A_61 : memref<128x128xf32, #tpu.memory_space<hbm>>)
    return
  }
}

module attributes {stable_mosaic.version = 14 : i64} {
  func.func @_head_kernel(%arg0: i32, %arg1: memref<2048x16xf32, #tpu.memory_space<vmem>>, %arg2: memref<512x1xi32, #tpu.memory_space<vmem>>, %arg3: memref<16x128xf32, #tpu.memory_space<vmem>>, %arg4: memref<1x128xf32, #tpu.memory_space<vmem>>, %arg5: memref<16x128xf32, #tpu.memory_space<vmem>>, %arg6: memref<1x128xf32, #tpu.memory_space<vmem>>, %arg7: memref<128x256xf32, #tpu.memory_space<vmem>>, %arg8: memref<1x256xf32, #tpu.memory_space<vmem>>, %arg9: memref<2048x128xf32, #tpu.memory_space<vmem>>, %arg10: memref<512x128xf32, #tpu.memory_space<vmem>>, %arg11: memref<512x256xf32, #tpu.memory_space<vmem>>) attributes {dimension_semantics = [#tpu.dimension_semantics<arbitrary>], iteration_bounds = array<i64: 32>, scalar_prefetch = 0 : i64, scratch_operands = 0 : i64, tpu.core_type = #tpu.core_type<tc>, window_params = [{transform_indices = @transform_0, window_bounds = array<i64: 2048, 16>}, {transform_indices = @transform_1, window_bounds = array<i64: 512, 1>}, {pipeline_mode = #tpu.pipeline_mode<synchronous>, transform_indices = @transform_2, window_bounds = array<i64: 16, 128>}, {pipeline_mode = #tpu.pipeline_mode<synchronous>, transform_indices = @transform_3, window_bounds = array<i64: 1, 128>}, {pipeline_mode = #tpu.pipeline_mode<synchronous>, transform_indices = @transform_4, window_bounds = array<i64: 16, 128>}, {pipeline_mode = #tpu.pipeline_mode<synchronous>, transform_indices = @transform_5, window_bounds = array<i64: 1, 128>}, {pipeline_mode = #tpu.pipeline_mode<synchronous>, transform_indices = @transform_6, window_bounds = array<i64: 128, 256>}, {pipeline_mode = #tpu.pipeline_mode<synchronous>, transform_indices = @transform_7, window_bounds = array<i64: 1, 256>}, {transform_indices = @transform_8, window_bounds = array<i64: 2048, 128>}, {transform_indices = @transform_9, window_bounds = array<i64: 512, 128>}, {transform_indices = @transform_10, window_bounds = array<i64: 512, 256>}]} {
    %get3A = arith.constant 0 : index
    %get3A_0 = arith.constant 0 : index
    %get3A_1 = vector.load %arg1[%get3A, %get3A_0] : memref<2048x16xf32, #tpu.memory_space<vmem>>, vector<2048x16xf32>
    %get3A_2 = arith.constant 0 : index
    %get3A_3 = arith.constant 0 : index
    %get3A_4 = vector.load %arg3[%get3A_2, %get3A_3] : memref<16x128xf32, #tpu.memory_space<vmem>>, vector<16x128xf32>
    %dot_general3A = arith.constant dense<0.000000e+00> : vector<2048x128xf32>
    %dot_general3A_5 = tpu.matmul %get3A_1, %get3A_4, %dot_general3A {dimension_numbers = #tpu.dot_dimension_numbers<[1], [0], [0], [1], [0, 0, 1, 1], [], []>, transpose_lhs_hint = false} : vector<2048x16xf32>, vector<16x128xf32>, vector<2048x128xf32> -> vector<2048x128xf32>
    %get3A_6 = arith.constant 0 : index
    %get3A_7 = arith.constant 0 : index
    %get3A_8 = vector.load %arg4[%get3A_6, %get3A_7] : memref<1x128xf32, #tpu.memory_space<vmem>>, vector<1x128xf32>
    %add3A = vector.broadcast %get3A_8 : vector<1x128xf32> to vector<2048x128xf32>
    %add3A_9 = arith.addf %dot_general3A_5, %add3A : vector<2048x128xf32>
    %swap3A = arith.constant 0 : index
    %swap3A_10 = arith.constant 0 : index
    %swap3A_11 = vector.load %arg9[%swap3A, %swap3A_10] : memref<2048x128xf32, #tpu.memory_space<vmem>>, vector<2048x128xf32>
    tpu.vector_store %arg9[%swap3A, %swap3A_10], %add3A_9 {strides = array<i32>} : memref<2048x128xf32, #tpu.memory_space<vmem>>, vector<2048x128xf32>,
    %get3A_12 = arith.constant 0 : index
    %get3A_13 = arith.constant 0 : index
    %get3A_14 = vector.load %arg5[%get3A_12, %get3A_13] : memref<16x128xf32, #tpu.memory_space<vmem>>, vector<16x128xf32>
    %dot_general3A_15 = arith.constant dense<0.000000e+00> : vector<2048x128xf32>
    %dot_general3A_16 = tpu.matmul %get3A_1, %get3A_14, %dot_general3A_15 {dimension_numbers = #tpu.dot_dimension_numbers<[1], [0], [0], [1], [0, 0, 1, 1], [], []>, transpose_lhs_hint = false} : vector<2048x16xf32>, vector<16x128xf32>, vector<2048x128xf32> -> vector<2048x128xf32>
    %get3A_17 = arith.constant 0 : index
    %get3A_18 = arith.constant 0 : index
    %get3A_19 = vector.load %arg6[%get3A_17, %get3A_18] : memref<1x128xf32, #tpu.memory_space<vmem>>, vector<1x128xf32>
    %add3A_20 = vector.broadcast %get3A_19 : vector<1x128xf32> to vector<2048x128xf32>
    %add3A_21 = arith.addf %dot_general3A_16, %add3A_20 : vector<2048x128xf32>
    %get3A_22 = arith.constant 0 : index
    %get3A_23 = arith.constant 0 : index
    %get3A_24 = vector.load %arg2[%get3A_22, %get3A_23] : memref<512x1xi32, #tpu.memory_space<vmem>>, vector<512x1xi32>
    %mul3A = arith.constant 2048 : i32
    %mul3A_25 = arith.muli %arg0, %mul3A : i32
    %sub3A = vector.broadcast %mul3A_25 : i32 to vector<512x1xi32>
    %sub3A_26 = arith.subi %get3A_24, %sub3A : vector<512x1xi32>
    %iota3A = tpu.iota {dimensions = array<i32: 1>} : vector<512x2048xi32>
    %eq3A = vector.broadcast %sub3A_26 : vector<512x1xi32> to vector<512x2048xi32>
    %eq3A_27 = arith.cmpi eq, %iota3A, %eq3A : vector<512x2048xi32>
    %convert_element_type3A = arith.extui %eq3A_27 : vector<512x2048xi1> to vector<512x2048xi32>
    %convert_element_type3A_28 = arith.sitofp %convert_element_type3A : vector<512x2048xi32> to vector<512x2048xf32>
    %convert_element_type3A_29 = arith.truncf %convert_element_type3A_28 : vector<512x2048xf32> to vector<512x2048xbf16>
    %convert_element_type3A_30 = arith.truncf %add3A_21 : vector<2048x128xf32> to vector<2048x128xbf16>
    %dot_general3A_31 = arith.constant dense<0.000000e+00> : vector<512x128xf32>
    %dot_general3A_32 = tpu.matmul %convert_element_type3A_29, %convert_element_type3A_30, %dot_general3A_31 {dimension_numbers = #tpu.dot_dimension_numbers<[1], [0], [0], [1], [0, 0, 1, 1], [], []>, transpose_lhs_hint = false} : vector<512x2048xbf16>, vector<2048x128xbf16>, vector<512x128xf32> -> vector<512x128xf32>
    %swap3A_33 = arith.constant 0 : index
    %swap3A_34 = arith.constant 0 : index
    %swap3A_35 = vector.load %arg10[%swap3A_33, %swap3A_34] : memref<512x128xf32, #tpu.memory_space<vmem>>, vector<512x128xf32>
    tpu.vector_store %arg10[%swap3A_33, %swap3A_34], %dot_general3A_32 {strides = array<i32>} : memref<512x128xf32, #tpu.memory_space<vmem>>, vector<512x128xf32>,
    %get3A_36 = arith.constant 0 : index
    %get3A_37 = arith.constant 0 : index
    %get3A_38 = vector.load %arg7[%get3A_36, %get3A_37] : memref<128x256xf32, #tpu.memory_space<vmem>>, vector<128x256xf32>
    %dot_general3A_39 = arith.constant dense<0.000000e+00> : vector<512x256xf32>
    %dot_general3A_40 = tpu.matmul %dot_general3A_32, %get3A_38, %dot_general3A_39 {dimension_numbers = #tpu.dot_dimension_numbers<[1], [0], [0], [1], [0, 0, 1, 1], [], []>, transpose_lhs_hint = false} : vector<512x128xf32>, vector<128x256xf32>, vector<512x256xf32> -> vector<512x256xf32>
    %get3A_41 = arith.constant 0 : index
    %get3A_42 = arith.constant 0 : index
    %get3A_43 = vector.load %arg8[%get3A_41, %get3A_42] : memref<1x256xf32, #tpu.memory_space<vmem>>, vector<1x256xf32>
    %add3A_44 = vector.broadcast %get3A_43 : vector<1x256xf32> to vector<512x256xf32>
    %add3A_45 = arith.addf %dot_general3A_40, %add3A_44 : vector<512x256xf32>
    %swap3A_46 = arith.constant 0 : index
    %swap3A_47 = arith.constant 0 : index
    %swap3A_48 = vector.load %arg11[%swap3A_46, %swap3A_47] : memref<512x256xf32, #tpu.memory_space<vmem>>, vector<512x256xf32>
    tpu.vector_store %arg11[%swap3A_46, %swap3A_47], %add3A_45 {strides = array<i32>} : memref<512x256xf32, #tpu.memory_space<vmem>>, vector<512x256xf32>,
    return
  }
  func.func @transform_0(%arg0: i32) -> (i32, i32) {
    %c0_i32 = arith.constant 0 : i32
    %c0_i32_0 = arith.constant 0 : i32
    return %arg0, %c0_i32 : i32, i32
  }
  func.func @transform_1(%arg0: i32) -> (i32, i32) {
    %c0_i32 = arith.constant 0 : i32
    %c0_i32_0 = arith.constant 0 : i32
    return %arg0, %c0_i32 : i32, i32
  }
  func.func @transform_2(%arg0: i32) -> (i32, i32) {
    %c0_i32 = arith.constant 0 : i32
    %c0_i32_0 = arith.constant 0 : i32
    %c0_i32_1 = arith.constant 0 : i32
    return %c0_i32, %c0_i32_0 : i32, i32
  }
  func.func @transform_3(%arg0: i32) -> (i32, i32) {
    %c0_i32 = arith.constant 0 : i32
    %c0_i32_0 = arith.constant 0 : i32
    %c0_i32_1 = arith.constant 0 : i32
    return %c0_i32, %c0_i32_0 : i32, i32
  }
  func.func @transform_4(%arg0: i32) -> (i32, i32) {
    %c0_i32 = arith.constant 0 : i32
    %c0_i32_0 = arith.constant 0 : i32
    %c0_i32_1 = arith.constant 0 : i32
    return %c0_i32, %c0_i32_0 : i32, i32
  }
  func.func @transform_5(%arg0: i32) -> (i32, i32) {
    %c0_i32 = arith.constant 0 : i32
    %c0_i32_0 = arith.constant 0 : i32
    %c0_i32_1 = arith.constant 0 : i32
    return %c0_i32, %c0_i32_0 : i32, i32
  }
  func.func @transform_6(%arg0: i32) -> (i32, i32) {
    %c0_i32 = arith.constant 0 : i32
    %c0_i32_0 = arith.constant 0 : i32
    %c0_i32_1 = arith.constant 0 : i32
    return %c0_i32, %c0_i32_0 : i32, i32
  }
  func.func @transform_7(%arg0: i32) -> (i32, i32) {
    %c0_i32 = arith.constant 0 : i32
    %c0_i32_0 = arith.constant 0 : i32
    %c0_i32_1 = arith.constant 0 : i32
    return %c0_i32, %c0_i32_0 : i32, i32
  }
  func.func @transform_8(%arg0: i32) -> (i32, i32) {
    %c0_i32 = arith.constant 0 : i32
    %c0_i32_0 = arith.constant 0 : i32
    return %arg0, %c0_i32 : i32, i32
  }
  func.func @transform_9(%arg0: i32) -> (i32, i32) {
    %c0_i32 = arith.constant 0 : i32
    %c0_i32_0 = arith.constant 0 : i32
    return %arg0, %c0_i32 : i32, i32
  }
  func.func @transform_10(%arg0: i32) -> (i32, i32) {
    %c0_i32 = arith.constant 0 : i32
    %c0_i32_0 = arith.constant 0 : i32
    return %arg0, %c0_i32 : i32, i32
  }
}

module attributes {stable_mosaic.version = 14 : i64} {
  func.func @_tables2_kernel(%arg0: i32, %arg1: memref<512x128xf32, #tpu.memory_space<vmem>>, %arg2: memref<512x128xf32, #tpu.memory_space<vmem>>, %arg3: memref<512x128xf32, #tpu.memory_space<vmem>>, %arg4: memref<512x256xf32, #tpu.memory_space<vmem>>, %arg5: memref<256x1xi32, #tpu.memory_space<vmem>>, %arg6: memref<128x128xf32, #tpu.memory_space<vmem>>, %arg7: memref<128x128xf32, #tpu.memory_space<vmem>>, %arg8: memref<512x128xf32, #tpu.memory_space<vmem>>, %arg9: memref<256x256xf32, #tpu.memory_space<vmem>>) attributes {dimension_semantics = [#tpu.dimension_semantics<arbitrary>], iteration_bounds = array<i64: 32>, scalar_prefetch = 0 : i64, scratch_operands = 0 : i64, tpu.core_type = #tpu.core_type<tc>, window_params = [{transform_indices = @transform_0, window_bounds = array<i64: 512, 128>}, {transform_indices = @transform_1, window_bounds = array<i64: 512, 128>}, {transform_indices = @transform_2, window_bounds = array<i64: 512, 128>}, {transform_indices = @transform_3, window_bounds = array<i64: 512, 256>}, {transform_indices = @transform_4, window_bounds = array<i64: 256, 1>}, {pipeline_mode = #tpu.pipeline_mode<synchronous>, transform_indices = @transform_5, window_bounds = array<i64: 128, 128>}, {pipeline_mode = #tpu.pipeline_mode<synchronous>, transform_indices = @transform_6, window_bounds = array<i64: 128, 128>}, {transform_indices = @transform_7, window_bounds = array<i64: 512, 128>}, {transform_indices = @transform_8, window_bounds = array<i64: 256, 256>}]} {
    %get3A = arith.constant 0 : index
    %get3A_0 = arith.constant 0 : index
    %get3A_1 = vector.load %arg1[%get3A, %get3A_0] : memref<512x128xf32, #tpu.memory_space<vmem>>, vector<512x128xf32>
    %eq3A = arith.constant 0 : i32
    %eq3A_2 = arith.cmpi eq, %arg0, %eq3A : i32
    %get3A_3 = arith.constant 0 : index
    %get3A_4 = arith.constant 0 : index
    %get3A_5 = vector.load %arg2[%get3A_3, %get3A_4] : memref<512x128xf32, #tpu.memory_space<vmem>>, vector<512x128xf32>
    %max3A = arith.maximumf %get3A_1, %get3A_5 : vector<512x128xf32>
    %select_n3A = arith.select %eq3A_2, %get3A_1, %max3A : vector<512x128xf32>
    %get3A_6 = arith.constant 0 : index
    %get3A_7 = arith.constant 0 : index
    %get3A_8 = vector.load %arg6[%get3A_6, %get3A_7] : memref<128x128xf32, #tpu.memory_space<vmem>>, vector<128x128xf32>
    %dot_general3A = arith.constant dense<0.000000e+00> : vector<512x128xf32>
    %dot_general3A_9 = tpu.matmul %select_n3A, %get3A_8, %dot_general3A {dimension_numbers = #tpu.dot_dimension_numbers<[1], [0], [0], [1], [0, 0, 1, 1], [], []>, transpose_lhs_hint = false} : vector<512x128xf32>, vector<128x128xf32>, vector<512x128xf32> -> vector<512x128xf32>
    %get3A_10 = arith.constant 0 : index
    %get3A_11 = arith.constant 0 : index
    %get3A_12 = vector.load %arg3[%get3A_10, %get3A_11] : memref<512x128xf32, #tpu.memory_space<vmem>>, vector<512x128xf32>
    %get3A_13 = arith.constant 0 : index
    %get3A_14 = arith.constant 0 : index
    %get3A_15 = vector.load %arg7[%get3A_13, %get3A_14] : memref<128x128xf32, #tpu.memory_space<vmem>>, vector<128x128xf32>
    %dot_general3A_16 = arith.constant dense<0.000000e+00> : vector<512x128xf32>
    %dot_general3A_17 = tpu.matmul %get3A_12, %get3A_15, %dot_general3A_16 {dimension_numbers = #tpu.dot_dimension_numbers<[1], [0], [0], [1], [0, 0, 1, 1], [], []>, transpose_lhs_hint = false} : vector<512x128xf32>, vector<128x128xf32>, vector<512x128xf32> -> vector<512x128xf32>
    %add3A = arith.addf %dot_general3A_9, %dot_general3A_17 : vector<512x128xf32>
    %swap3A = arith.constant 0 : index
    %swap3A_18 = arith.constant 0 : index
    %swap3A_19 = vector.load %arg8[%swap3A, %swap3A_18] : memref<512x128xf32, #tpu.memory_space<vmem>>, vector<512x128xf32>
    tpu.vector_store %arg8[%swap3A, %swap3A_18], %add3A {strides = array<i32>} : memref<512x128xf32, #tpu.memory_space<vmem>>, vector<512x128xf32>,
    %get3A_20 = arith.constant 0 : index
    %get3A_21 = arith.constant 0 : index
    %get3A_22 = vector.load %arg5[%get3A_20, %get3A_21] : memref<256x1xi32, #tpu.memory_space<vmem>>, vector<256x1xi32>
    %mul3A = arith.constant 512 : i32
    %mul3A_23 = arith.muli %arg0, %mul3A : i32
    %sub3A = vector.broadcast %mul3A_23 : i32 to vector<256x1xi32>
    %sub3A_24 = arith.subi %get3A_22, %sub3A : vector<256x1xi32>
    %iota3A = tpu.iota {dimensions = array<i32: 1>} : vector<256x512xi32>
    %eq3A_25 = vector.broadcast %sub3A_24 : vector<256x1xi32> to vector<256x512xi32>
    %eq3A_26 = arith.cmpi eq, %iota3A, %eq3A_25 : vector<256x512xi32>
    %convert_element_type3A = arith.extui %eq3A_26 : vector<256x512xi1> to vector<256x512xi32>
    %convert_element_type3A_27 = arith.sitofp %convert_element_type3A : vector<256x512xi32> to vector<256x512xf32>
    %convert_element_type3A_28 = arith.truncf %convert_element_type3A_27 : vector<256x512xf32> to vector<256x512xbf16>
    %get3A_29 = arith.constant 0 : index
    %get3A_30 = arith.constant 0 : index
    %get3A_31 = vector.load %arg4[%get3A_29, %get3A_30] : memref<512x256xf32, #tpu.memory_space<vmem>>, vector<512x256xf32>
    %convert_element_type3A_32 = arith.truncf %get3A_31 : vector<512x256xf32> to vector<512x256xbf16>
    %dot_general3A_33 = arith.constant dense<0.000000e+00> : vector<256x256xf32>
    %dot_general3A_34 = tpu.matmul %convert_element_type3A_28, %convert_element_type3A_32, %dot_general3A_33 {dimension_numbers = #tpu.dot_dimension_numbers<[1], [0], [0], [1], [0, 0, 1, 1], [], []>, transpose_lhs_hint = false} : vector<256x512xbf16>, vector<512x256xbf16>, vector<256x256xf32> -> vector<256x256xf32>
    %swap3A_35 = arith.constant 0 : index
    %swap3A_36 = arith.constant 0 : index
    %swap3A_37 = vector.load %arg9[%swap3A_35, %swap3A_36] : memref<256x256xf32, #tpu.memory_space<vmem>>, vector<256x256xf32>
    tpu.vector_store %arg9[%swap3A_35, %swap3A_36], %dot_general3A_34 {strides = array<i32>} : memref<256x256xf32, #tpu.memory_space<vmem>>, vector<256x256xf32>,
    return
  }
  func.func @transform_0(%arg0: i32) -> (i32, i32) {
    %c0_i32 = arith.constant 0 : i32
    %c0_i32_0 = arith.constant 0 : i32
    return %arg0, %c0_i32 : i32, i32
  }
  func.func @transform_1(%arg0: i32) -> (i32, i32) {
    %c0_i32 = arith.constant 0 : i32
    %c0_i32_0 = arith.constant 0 : i32
    return %arg0, %c0_i32 : i32, i32
  }
  func.func @transform_2(%arg0: i32) -> (i32, i32) {
    %c0_i32 = arith.constant 0 : i32
    %c0_i32_0 = arith.constant 0 : i32
    return %arg0, %c0_i32 : i32, i32
  }
  func.func @transform_3(%arg0: i32) -> (i32, i32) {
    %c0_i32 = arith.constant 0 : i32
    %c0_i32_0 = arith.constant 0 : i32
    return %arg0, %c0_i32 : i32, i32
  }
  func.func @transform_4(%arg0: i32) -> (i32, i32) {
    %c0_i32 = arith.constant 0 : i32
    %c0_i32_0 = arith.constant 0 : i32
    return %arg0, %c0_i32 : i32, i32
  }
  func.func @transform_5(%arg0: i32) -> (i32, i32) {
    %c0_i32 = arith.constant 0 : i32
    %c0_i32_0 = arith.constant 0 : i32
    %c0_i32_1 = arith.constant 0 : i32
    return %c0_i32, %c0_i32_0 : i32, i32
  }
  func.func @transform_6(%arg0: i32) -> (i32, i32) {
    %c0_i32 = arith.constant 0 : i32
    %c0_i32_0 = arith.constant 0 : i32
    %c0_i32_1 = arith.constant 0 : i32
    return %c0_i32, %c0_i32_0 : i32, i32
  }
  func.func @transform_7(%arg0: i32) -> (i32, i32) {
    %c0_i32 = arith.constant 0 : i32
    %c0_i32_0 = arith.constant 0 : i32
    return %arg0, %c0_i32 : i32, i32
  }
  func.func @transform_8(%arg0: i32) -> (i32, i32) {
    %c0_i32 = arith.constant 0 : i32
    %c0_i32_0 = arith.constant 0 : i32
    return %arg0, %c0_i32 : i32, i32
  }
}

module attributes {stable_mosaic.version = 14 : i64} {
  func.func @_edge_stage1_kernel(%arg0: i32, %arg1: memref<53xi32, #tpu.memory_space<smem>>, %arg2: memref<53xi32, #tpu.memory_space<smem>>, %arg3: memref<53xi32, #tpu.memory_space<smem>>, %arg4: memref<512x128xf32, #tpu.memory_space<vmem>>, %arg5: memref<512x128xf32, #tpu.memory_space<vmem>>, %arg6: memref<512x128xf32, #tpu.memory_space<vmem>>, %arg7: memref<512x128xf32, #tpu.memory_space<vmem>>, %arg8: memref<512x8xi32, #tpu.memory_space<vmem>>, %arg9: memref<512x8xi32, #tpu.memory_space<vmem>>, %arg10: memref<64x64xf32, #tpu.memory_space<vmem>>, %arg11: memref<1x64xf32, #tpu.memory_space<vmem>>, %arg12: memref<64x128xf32, #tpu.memory_space<vmem>>, %arg13: memref<1x128xf32, #tpu.memory_space<vmem>>, %arg14: memref<512x128xf32, #tpu.memory_space<vmem>>, %arg15: memref<512x128xf32, #tpu.memory_space<vmem>>) attributes {dimension_semantics = [#tpu.dimension_semantics<arbitrary>], iteration_bounds = array<i64: 53>, scalar_prefetch = 3 : i64, scratch_operands = 0 : i64, tpu.core_type = #tpu.core_type<tc>, window_params = [{transform_indices = @transform_0, window_bounds = array<i64: 512, 128>}, {transform_indices = @transform_1, window_bounds = array<i64: 512, 128>}, {transform_indices = @transform_2, window_bounds = array<i64: 512, 128>}, {transform_indices = @transform_3, window_bounds = array<i64: 512, 128>}, {transform_indices = @transform_4, window_bounds = array<i64: 512, 8>}, {transform_indices = @transform_5, window_bounds = array<i64: 512, 8>}, {pipeline_mode = #tpu.pipeline_mode<synchronous>, transform_indices = @transform_6, window_bounds = array<i64: 64, 64>}, {pipeline_mode = #tpu.pipeline_mode<synchronous>, transform_indices = @transform_7, window_bounds = array<i64: 1, 64>}, {pipeline_mode = #tpu.pipeline_mode<synchronous>, transform_indices = @transform_8, window_bounds = array<i64: 64, 128>}, {pipeline_mode = #tpu.pipeline_mode<synchronous>, transform_indices = @transform_9, window_bounds = array<i64: 1, 128>}, {transform_indices = @transform_10, window_bounds = array<i64: 512, 128>}, {transform_indices = @transform_11, window_bounds = array<i64: 512, 128>}]} {
    %get3A = arith.constant 0 : index
    %get3A_0 = arith.constant 0 : index
    %get3A_1 = vector.load %arg4[%get3A, %get3A_0] : memref<512x128xf32, #tpu.memory_space<vmem>>, vector<512x128xf32>
    %slice3A = vector.extract_strided_slice %get3A_1 {offsets = [0, 0], sizes = [512, 64], strides = [1, 1]} : vector<512x128xf32> to vector<512x64xf32>
    %get3A_2 = arith.constant 0 : index
    %get3A_3 = arith.constant 0 : index
    %get3A_4 = vector.load %arg6[%get3A_2, %get3A_3] : memref<512x128xf32, #tpu.memory_space<vmem>>, vector<512x128xf32>
    %slice3A_5 = vector.extract_strided_slice %get3A_4 {offsets = [0, 0], sizes = [512, 64], strides = [1, 1]} : vector<512x128xf32> to vector<512x64xf32>
    %add3A = arith.addf %slice3A, %slice3A_5 : vector<512x64xf32>
    %get3A_6 = arith.constant 0 : index
    %get3A_7 = arith.constant 0 : index
    %get3A_8 = vector.load %arg5[%get3A_6, %get3A_7] : memref<512x128xf32, #tpu.memory_space<vmem>>, vector<512x128xf32>
    %slice3A_9 = vector.extract_strided_slice %get3A_8 {offsets = [0, 0], sizes = [32, 64], strides = [1, 1]} : vector<512x128xf32> to vector<32x64xf32>
    %get3A_10 = arith.constant 0 : index
    %get3A_11 = arith.constant 0 : index
    %get3A_12 = vector.load %arg7[%get3A_10, %get3A_11] : memref<512x128xf32, #tpu.memory_space<vmem>>, vector<512x128xf32>
    %slice3A_13 = vector.extract_strided_slice %get3A_12 {offsets = [0, 0], sizes = [32, 64], strides = [1, 1]} : vector<512x128xf32> to vector<32x64xf32>
    %add3A_14 = arith.addf %slice3A_9, %slice3A_13 : vector<32x64xf32>
    %concatenate3A = tpu.concatenate %add3A, %add3A_14 in 0 : vector<512x64xf32>, vector<32x64xf32> -> vector<544x64xf32>
    %get3A_15 = arith.constant 0 : index
    %get3A_16 = arith.constant 0 : index
    %get3A_17 = vector.load %arg8[%get3A_15, %get3A_16] : memref<512x8xi32, #tpu.memory_space<vmem>>, vector<512x8xi32>
    %get3A_18 = arith.constant 0 : index
    %get3A_19 = arith.constant 0 : index
    %get3A_20 = vector.load %arg9[%get3A_18, %get3A_19] : memref<512x8xi32, #tpu.memory_space<vmem>>, vector<512x8xi32>
    %slice3A_21 = vector.extract_strided_slice %get3A_20 {offsets = [0, 0], sizes = [32, 8], strides = [1, 1]} : vector<512x8xi32> to vector<32x8xi32>
    %concatenate3A_22 = tpu.concatenate %get3A_17, %slice3A_21 in 0 : vector<512x8xi32>, vector<32x8xi32> -> vector<544x8xi32>
    %max3A = arith.constant 0.000000e+00 : f32
    %max3A_23 = vector.broadcast %max3A : f32 to vector<544x64xf32>
    %max3A_24 = arith.maximumf %concatenate3A, %max3A_23 : vector<544x64xf32>
    %get3A_25 = arith.constant 0 : index
    %get3A_26 = arith.constant 0 : index
    %get3A_27 = vector.load %arg10[%get3A_25, %get3A_26] : memref<64x64xf32, #tpu.memory_space<vmem>>, vector<64x64xf32>
    %dot_general3A = arith.constant dense<0.000000e+00> : vector<544x64xf32>
    %dot_general3A_28 = tpu.matmul %max3A_24, %get3A_27, %dot_general3A {dimension_numbers = #tpu.dot_dimension_numbers<[1], [0], [0], [1], [0, 0, 1, 1], [], []>, transpose_lhs_hint = false} : vector<544x64xf32>, vector<64x64xf32>, vector<544x64xf32> -> vector<544x64xf32>
    %get3A_29 = arith.constant 0 : index
    %get3A_30 = arith.constant 0 : index
    %get3A_31 = vector.load %arg11[%get3A_29, %get3A_30] : memref<1x64xf32, #tpu.memory_space<vmem>>, vector<1x64xf32>
    %add3A_32 = vector.broadcast %get3A_31 : vector<1x64xf32> to vector<544x64xf32>
    %add3A_33 = arith.addf %dot_general3A_28, %add3A_32 : vector<544x64xf32>
    %max3A_34 = arith.constant 0.000000e+00 : f32
    %max3A_35 = vector.broadcast %max3A_34 : f32 to vector<544x64xf32>
    %max3A_36 = arith.maximumf %add3A_33, %max3A_35 : vector<544x64xf32>
    %get3A_37 = arith.constant 0 : index
    %get3A_38 = arith.constant 0 : index
    %get3A_39 = vector.load %arg12[%get3A_37, %get3A_38] : memref<64x128xf32, #tpu.memory_space<vmem>>, vector<64x128xf32>
    %dot_general3A_40 = arith.constant dense<0.000000e+00> : vector<544x128xf32>
    %dot_general3A_41 = tpu.matmul %max3A_36, %get3A_39, %dot_general3A_40 {dimension_numbers = #tpu.dot_dimension_numbers<[1], [0], [0], [1], [0, 0, 1, 1], [], []>, transpose_lhs_hint = false} : vector<544x64xf32>, vector<64x128xf32>, vector<544x128xf32> -> vector<544x128xf32>
    %get3A_42 = arith.constant 0 : index
    %get3A_43 = arith.constant 0 : index
    %get3A_44 = vector.load %arg13[%get3A_42, %get3A_43] : memref<1x128xf32, #tpu.memory_space<vmem>>, vector<1x128xf32>
    %add3A_45 = vector.broadcast %get3A_44 : vector<1x128xf32> to vector<544x128xf32>
    %add3A_46 = arith.addf %dot_general3A_41, %add3A_45 : vector<544x128xf32>
    %max3A_47 = arith.constant 0.000000e+00 : f32
    %max3A_48 = vector.broadcast %max3A_47 : f32 to vector<544x128xf32>
    %max3A_49 = arith.maximumf %add3A_46, %max3A_48 : vector<544x128xf32>
    %slice3A_50 = vector.extract_strided_slice %max3A_49 {offsets = [1, 0], sizes = [543, 128], strides = [1, 1]} : vector<544x128xf32> to vector<543x128xf32>
    %slice3A_51 = vector.extract_strided_slice %max3A_49 {offsets = [0, 0], sizes = [1, 128], strides = [1, 1]} : vector<544x128xf32> to vector<1x128xf32>
    %concatenate3A_52 = tpu.concatenate %slice3A_50, %slice3A_51 in 0 : vector<543x128xf32>, vector<1x128xf32> -> vector<544x128xf32>
    %slice3A_53 = vector.extract_strided_slice %concatenate3A_22 {offsets = [1, 0], sizes = [543, 8], strides = [1, 1]} : vector<544x8xi32> to vector<543x8xi32>
    %slice3A_54 = vector.extract_strided_slice %concatenate3A_22 {offsets = [0, 0], sizes = [1, 8], strides = [1, 1]} : vector<544x8xi32> to vector<1x8xi32>
    %concatenate3A_55 = tpu.concatenate %slice3A_53, %slice3A_54 in 0 : vector<543x8xi32>, vector<1x8xi32> -> vector<544x8xi32>
    %slice3A_56 = vector.extract_strided_slice %concatenate3A_55 {offsets = [0, 0], sizes = [544, 1], strides = [1, 1]} : vector<544x8xi32> to vector<544x1xi32>
    %slice3A_57 = vector.extract_strided_slice %concatenate3A_22 {offsets = [0, 0], sizes = [544, 1], strides = [1, 1]} : vector<544x8xi32> to vector<544x1xi32>
    %eq3A = arith.cmpi eq, %slice3A_56, %slice3A_57 : vector<544x1xi32>
    %max3A_58 = arith.maximumf %max3A_49, %concatenate3A_52 : vector<544x128xf32>
    %broadcast_in_dim3A = vector.shape_cast %eq3A : vector<544x1xi1> to vector<544x1xi1>
    %broadcast_in_dim3A_59 = vector.broadcast %broadcast_in_dim3A : vector<544x1xi1> to vector<544x128xi1>
    %select_n3A = arith.select %broadcast_in_dim3A_59, %max3A_58, %max3A_49 : vector<544x128xi1>, vector<544x128xf32>
    %slice3A_60 = vector.extract_strided_slice %select_n3A {offsets = [2, 0], sizes = [542, 128], strides = [1, 1]} : vector<544x128xf32> to vector<542x128xf32>
    %slice3A_61 = vector.extract_strided_slice %select_n3A {offsets = [0, 0], sizes = [2, 128], strides = [1, 1]} : vector<544x128xf32> to vector<2x128xf32>
    %concatenate3A_62 = tpu.concatenate %slice3A_60, %slice3A_61 in 0 : vector<542x128xf32>, vector<2x128xf32> -> vector<544x128xf32>
    %slice3A_63 = vector.extract_strided_slice %concatenate3A_22 {offsets = [2, 0], sizes = [542, 8], strides = [1, 1]} : vector<544x8xi32> to vector<542x8xi32>
    %slice3A_64 = vector.extract_strided_slice %concatenate3A_22 {offsets = [0, 0], sizes = [2, 8], strides = [1, 1]} : vector<544x8xi32> to vector<2x8xi32>
    %concatenate3A_65 = tpu.concatenate %slice3A_63, %slice3A_64 in 0 : vector<542x8xi32>, vector<2x8xi32> -> vector<544x8xi32>
    %slice3A_66 = vector.extract_strided_slice %concatenate3A_65 {offsets = [0, 0], sizes = [544, 1], strides = [1, 1]} : vector<544x8xi32> to vector<544x1xi32>
    %slice3A_67 = vector.extract_strided_slice %concatenate3A_22 {offsets = [0, 0], sizes = [544, 1], strides = [1, 1]} : vector<544x8xi32> to vector<544x1xi32>
    %eq3A_68 = arith.cmpi eq, %slice3A_66, %slice3A_67 : vector<544x1xi32>
    %max3A_69 = arith.maximumf %select_n3A, %concatenate3A_62 : vector<544x128xf32>
    %broadcast_in_dim3A_70 = vector.shape_cast %eq3A_68 : vector<544x1xi1> to vector<544x1xi1>
    %broadcast_in_dim3A_71 = vector.broadcast %broadcast_in_dim3A_70 : vector<544x1xi1> to vector<544x128xi1>
    %select_n3A_72 = arith.select %broadcast_in_dim3A_71, %max3A_69, %select_n3A : vector<544x128xi1>, vector<544x128xf32>
    %slice3A_73 = vector.extract_strided_slice %select_n3A_72 {offsets = [4, 0], sizes = [540, 128], strides = [1, 1]} : vector<544x128xf32> to vector<540x128xf32>
    %slice3A_74 = vector.extract_strided_slice %select_n3A_72 {offsets = [0, 0], sizes = [4, 128], strides = [1, 1]} : vector<544x128xf32> to vector<4x128xf32>
    %concatenate3A_75 = tpu.concatenate %slice3A_73, %slice3A_74 in 0 : vector<540x128xf32>, vector<4x128xf32> -> vector<544x128xf32>
    %slice3A_76 = vector.extract_strided_slice %concatenate3A_22 {offsets = [4, 0], sizes = [540, 8], strides = [1, 1]} : vector<544x8xi32> to vector<540x8xi32>
    %slice3A_77 = vector.extract_strided_slice %concatenate3A_22 {offsets = [0, 0], sizes = [4, 8], strides = [1, 1]} : vector<544x8xi32> to vector<4x8xi32>
    %concatenate3A_78 = tpu.concatenate %slice3A_76, %slice3A_77 in 0 : vector<540x8xi32>, vector<4x8xi32> -> vector<544x8xi32>
    %slice3A_79 = vector.extract_strided_slice %concatenate3A_78 {offsets = [0, 0], sizes = [544, 1], strides = [1, 1]} : vector<544x8xi32> to vector<544x1xi32>
    %slice3A_80 = vector.extract_strided_slice %concatenate3A_22 {offsets = [0, 0], sizes = [544, 1], strides = [1, 1]} : vector<544x8xi32> to vector<544x1xi32>
    %eq3A_81 = arith.cmpi eq, %slice3A_79, %slice3A_80 : vector<544x1xi32>
    %max3A_82 = arith.maximumf %select_n3A_72, %concatenate3A_75 : vector<544x128xf32>
    %broadcast_in_dim3A_83 = vector.shape_cast %eq3A_81 : vector<544x1xi1> to vector<544x1xi1>
    %broadcast_in_dim3A_84 = vector.broadcast %broadcast_in_dim3A_83 : vector<544x1xi1> to vector<544x128xi1>
    %select_n3A_85 = arith.select %broadcast_in_dim3A_84, %max3A_82, %select_n3A_72 : vector<544x128xi1>, vector<544x128xf32>
    %slice3A_86 = vector.extract_strided_slice %select_n3A_85 {offsets = [8, 0], sizes = [536, 128], strides = [1, 1]} : vector<544x128xf32> to vector<536x128xf32>
    %slice3A_87 = vector.extract_strided_slice %select_n3A_85 {offsets = [0, 0], sizes = [8, 128], strides = [1, 1]} : vector<544x128xf32> to vector<8x128xf32>
    %concatenate3A_88 = tpu.concatenate %slice3A_86, %slice3A_87 in 0 : vector<536x128xf32>, vector<8x128xf32> -> vector<544x128xf32>
    %slice3A_89 = vector.extract_strided_slice %concatenate3A_22 {offsets = [8, 0], sizes = [536, 8], strides = [1, 1]} : vector<544x8xi32> to vector<536x8xi32>
    %slice3A_90 = vector.extract_strided_slice %concatenate3A_22 {offsets = [0, 0], sizes = [8, 8], strides = [1, 1]} : vector<544x8xi32> to vector<8x8xi32>
    %concatenate3A_91 = tpu.concatenate %slice3A_89, %slice3A_90 in 0 : vector<536x8xi32>, vector<8x8xi32> -> vector<544x8xi32>
    %slice3A_92 = vector.extract_strided_slice %concatenate3A_91 {offsets = [0, 0], sizes = [544, 1], strides = [1, 1]} : vector<544x8xi32> to vector<544x1xi32>
    %slice3A_93 = vector.extract_strided_slice %concatenate3A_22 {offsets = [0, 0], sizes = [544, 1], strides = [1, 1]} : vector<544x8xi32> to vector<544x1xi32>
    %eq3A_94 = arith.cmpi eq, %slice3A_92, %slice3A_93 : vector<544x1xi32>
    %max3A_95 = arith.maximumf %select_n3A_85, %concatenate3A_88 : vector<544x128xf32>
    %broadcast_in_dim3A_96 = vector.shape_cast %eq3A_94 : vector<544x1xi1> to vector<544x1xi1>
    %broadcast_in_dim3A_97 = vector.broadcast %broadcast_in_dim3A_96 : vector<544x1xi1> to vector<544x128xi1>
    %select_n3A_98 = arith.select %broadcast_in_dim3A_97, %max3A_95, %select_n3A_85 : vector<544x128xi1>, vector<544x128xf32>
    %slice3A_99 = vector.extract_strided_slice %select_n3A_98 {offsets = [16, 0], sizes = [528, 128], strides = [1, 1]} : vector<544x128xf32> to vector<528x128xf32>
    %slice3A_100 = vector.extract_strided_slice %select_n3A_98 {offsets = [0, 0], sizes = [16, 128], strides = [1, 1]} : vector<544x128xf32> to vector<16x128xf32>
    %concatenate3A_101 = tpu.concatenate %slice3A_99, %slice3A_100 in 0 : vector<528x128xf32>, vector<16x128xf32> -> vector<544x128xf32>
    %slice3A_102 = vector.extract_strided_slice %concatenate3A_22 {offsets = [16, 0], sizes = [528, 8], strides = [1, 1]} : vector<544x8xi32> to vector<528x8xi32>
    %slice3A_103 = vector.extract_strided_slice %concatenate3A_22 {offsets = [0, 0], sizes = [16, 8], strides = [1, 1]} : vector<544x8xi32> to vector<16x8xi32>
    %concatenate3A_104 = tpu.concatenate %slice3A_102, %slice3A_103 in 0 : vector<528x8xi32>, vector<16x8xi32> -> vector<544x8xi32>
    %slice3A_105 = vector.extract_strided_slice %concatenate3A_104 {offsets = [0, 0], sizes = [544, 1], strides = [1, 1]} : vector<544x8xi32> to vector<544x1xi32>
    %slice3A_106 = vector.extract_strided_slice %concatenate3A_22 {offsets = [0, 0], sizes = [544, 1], strides = [1, 1]} : vector<544x8xi32> to vector<544x1xi32>
    %eq3A_107 = arith.cmpi eq, %slice3A_105, %slice3A_106 : vector<544x1xi32>
    %max3A_108 = arith.maximumf %select_n3A_98, %concatenate3A_101 : vector<544x128xf32>
    %broadcast_in_dim3A_109 = vector.shape_cast %eq3A_107 : vector<544x1xi1> to vector<544x1xi1>
    %broadcast_in_dim3A_110 = vector.broadcast %broadcast_in_dim3A_109 : vector<544x1xi1> to vector<544x128xi1>
    %select_n3A_111 = arith.select %broadcast_in_dim3A_110, %max3A_108, %select_n3A_98 : vector<544x128xi1>, vector<544x128xf32>
    %iota3A = tpu.iota {dimensions = array<i32: 0>} : vector<544x1xi32>
    %slice3A_112 = vector.extract_strided_slice %concatenate3A_22 {offsets = [0, 0], sizes = [544, 1], strides = [1, 1]} : vector<544x8xi32> to vector<544x1xi32>
    %slice3A_113 = vector.extract_strided_slice %concatenate3A_22 {offsets = [0, 1], sizes = [544, 1], strides = [1, 1]} : vector<544x8xi32> to vector<544x1xi32>
    %ne3A = arith.cmpi ne, %slice3A_112, %slice3A_113 : vector<544x1xi32>
    %lt3A = arith.constant 512 : i32
    %lt3A_114 = vector.broadcast %lt3A : i32 to vector<544x1xi32>
    %lt3A_115 = arith.cmpi slt, %iota3A, %lt3A_114 : vector<544x1xi32>
    %and3A = arith.andi %ne3A, %lt3A_115 : vector<544x1xi1>
    %slice3A_116 = vector.extract_strided_slice %concatenate3A_22 {offsets = [0, 0], sizes = [544, 1], strides = [1, 1]} : vector<544x8xi32> to vector<544x1xi32>
    %iota3A_117 = tpu.iota {dimensions = array<i32: 1>} : vector<544x512xi32>
    %get3A_118 = arith.index_cast %arg0 : i32 to index
    %get3A_119 = memref.load %arg1[%get3A_118] : memref<53xi32, #tpu.memory_space<smem>>
    %mul3A = arith.constant 512 : i32
    %mul3A_120 = arith.muli %get3A_119, %mul3A : i32
    %add3A_121 = vector.broadcast %mul3A_120 : i32 to vector<544x512xi32>
    %add3A_122 = arith.addi %iota3A_117, %add3A_121 : vector<544x512xi32>
    %convert_element_type3A = arith.truncf %select_n3A_111 : vector<544x128xf32> to vector<544x128xbf16>
    %eq3A_123 = vector.broadcast %slice3A_116 : vector<544x1xi32> to vector<544x512xi32>
    %eq3A_124 = arith.cmpi eq, %eq3A_123, %add3A_122 : vector<544x512xi32>
    %and3A_125 = vector.broadcast %and3A : vector<544x1xi1> to vector<544x512xi1>
    %and3A_126 = arith.andi %eq3A_124, %and3A_125 : vector<544x512xi1>
    %convert_element_type3A_127 = arith.extui %and3A_126 : vector<544x512xi1> to vector<544x512xi32>
    %convert_element_type3A_128 = arith.sitofp %convert_element_type3A_127 : vector<544x512xi32> to vector<544x512xf32>
    %convert_element_type3A_129 = arith.truncf %convert_element_type3A_128 : vector<544x512xf32> to vector<544x512xbf16>
    %dot_general3A_130 = arith.constant dense<0.000000e+00> : vector<512x128xf32>
    %dot_general3A_131 = tpu.matmul %convert_element_type3A_129, %convert_element_type3A, %dot_general3A_130 {dimension_numbers = #tpu.dot_dimension_numbers<[0], [0], [1], [1], [0, 1, 1, 1], [], []>, transpose_lhs_hint = false} : vector<544x512xbf16>, vector<544x128xbf16>, vector<512x128xf32> -> vector<512x128xf32>
    %get3A_132 = arith.index_cast %arg0 : i32 to index
    %get3A_133 = memref.load %arg2[%get3A_132] : memref<53xi32, #tpu.memory_space<smem>>
    %eq3A_134 = arith.constant 1 : i32
    %eq3A_135 = arith.cmpi eq, %get3A_133, %eq3A_134 : i32
    %convert_element_type3A_136 = arith.extui %eq3A_135 : i1 to i32
    %cond3A = arith.constant 0 : i32
    %cond3A_137 = arith.cmpi ne, %convert_element_type3A_136, %cond3A : i32
    scf.if %cond3A_137 {
      %swap3A = arith.constant 0 : index
      %swap3A_174 = arith.constant 0 : index
      %swap3A_175 = vector.load %arg14[%swap3A, %swap3A_174] : memref<512x128xf32, #tpu.memory_space<vmem>>, vector<512x128xf32>
      tpu.vector_store %arg14[%swap3A, %swap3A_174], %dot_general3A_131 {strides = array<i32>} : memref<512x128xf32, #tpu.memory_space<vmem>>, vector<512x128xf32>,
    } else {
    }
    %eq3A_138 = arith.constant 0 : i32
    %eq3A_139 = arith.cmpi eq, %get3A_133, %eq3A_138 : i32
    %convert_element_type3A_140 = arith.extui %eq3A_139 : i1 to i32
    %cond3A_141 = arith.constant 0 : i32
    %cond3A_142 = arith.cmpi ne, %convert_element_type3A_140, %cond3A_141 : i32
    scf.if %cond3A_142 {
      %get3A_174 = arith.constant 0 : index
      %get3A_175 = arith.constant 0 : index
      %get3A_176 = vector.load %arg14[%get3A_174, %get3A_175] : memref<512x128xf32, #tpu.memory_space<vmem>>, vector<512x128xf32>
      %max3A_177 = arith.maximumf %get3A_176, %dot_general3A_131 : vector<512x128xf32>
      %swap3A = arith.constant 0 : index
      %swap3A_178 = arith.constant 0 : index
      %swap3A_179 = vector.load %arg14[%swap3A, %swap3A_178] : memref<512x128xf32, #tpu.memory_space<vmem>>, vector<512x128xf32>
      tpu.vector_store %arg14[%swap3A, %swap3A_178], %max3A_177 {strides = array<i32>} : memref<512x128xf32, #tpu.memory_space<vmem>>, vector<512x128xf32>,
    } else {
    }
    %get3A_143 = arith.index_cast %arg0 : i32 to index
    %get3A_144 = memref.load %arg1[%get3A_143] : memref<53xi32, #tpu.memory_space<smem>>
    %add3A_145 = arith.constant 1 : i32
    %add3A_146 = arith.addi %get3A_144, %add3A_145 : i32
    %min3A = arith.constant 31 : i32
    %min3A_147 = arith.minsi %add3A_146, %min3A : i32
    %iota3A_148 = tpu.iota {dimensions = array<i32: 1>} : vector<544x512xi32>
    %mul3A_149 = arith.constant 512 : i32
    %mul3A_150 = arith.muli %min3A_147, %mul3A_149 : i32
    %add3A_151 = vector.broadcast %mul3A_150 : i32 to vector<544x512xi32>
    %add3A_152 = arith.addi %iota3A_148, %add3A_151 : vector<544x512xi32>
    %eq3A_153 = vector.broadcast %slice3A_116 : vector<544x1xi32> to vector<544x512xi32>
    %eq3A_154 = arith.cmpi eq, %eq3A_153, %add3A_152 : vector<544x512xi32>
    %and3A_155 = vector.broadcast %and3A : vector<544x1xi1> to vector<544x512xi1>
    %and3A_156 = arith.andi %eq3A_154, %and3A_155 : vector<544x512xi1>
    %convert_element_type3A_157 = arith.extui %and3A_156 : vector<544x512xi1> to vector<544x512xi32>
    %convert_element_type3A_158 = arith.sitofp %convert_element_type3A_157 : vector<544x512xi32> to vector<544x512xf32>
    %convert_element_type3A_159 = arith.truncf %convert_element_type3A_158 : vector<544x512xf32> to vector<544x512xbf16>
    %dot_general3A_160 = arith.constant dense<0.000000e+00> : vector<512x128xf32>
    %dot_general3A_161 = tpu.matmul %convert_element_type3A_159, %convert_element_type3A, %dot_general3A_160 {dimension_numbers = #tpu.dot_dimension_numbers<[0], [0], [1], [1], [0, 1, 1, 1], [], []>, transpose_lhs_hint = false} : vector<544x512xbf16>, vector<544x128xbf16>, vector<512x128xf32> -> vector<512x128xf32>
    %get3A_162 = arith.index_cast %arg0 : i32 to index
    %get3A_163 = memref.load %arg3[%get3A_162] : memref<53xi32, #tpu.memory_space<smem>>
    %eq3A_164 = arith.constant 1 : i32
    %eq3A_165 = arith.cmpi eq, %get3A_163, %eq3A_164 : i32
    %convert_element_type3A_166 = arith.extui %eq3A_165 : i1 to i32
    %cond3A_167 = arith.constant 0 : i32
    %cond3A_168 = arith.cmpi ne, %convert_element_type3A_166, %cond3A_167 : i32
    scf.if %cond3A_168 {
      %swap3A = arith.constant 0 : index
      %swap3A_174 = arith.constant 0 : index
      %swap3A_175 = vector.load %arg15[%swap3A, %swap3A_174] : memref<512x128xf32, #tpu.memory_space<vmem>>, vector<512x128xf32>
      tpu.vector_store %arg15[%swap3A, %swap3A_174], %dot_general3A_161 {strides = array<i32>} : memref<512x128xf32, #tpu.memory_space<vmem>>, vector<512x128xf32>,
    } else {
    }
    %eq3A_169 = arith.constant 0 : i32
    %eq3A_170 = arith.cmpi eq, %get3A_163, %eq3A_169 : i32
    %convert_element_type3A_171 = arith.extui %eq3A_170 : i1 to i32
    %cond3A_172 = arith.constant 0 : i32
    %cond3A_173 = arith.cmpi ne, %convert_element_type3A_171, %cond3A_172 : i32
    scf.if %cond3A_173 {
      %get3A_174 = arith.constant 0 : index
      %get3A_175 = arith.constant 0 : index
      %get3A_176 = vector.load %arg15[%get3A_174, %get3A_175] : memref<512x128xf32, #tpu.memory_space<vmem>>, vector<512x128xf32>
      %max3A_177 = arith.maximumf %get3A_176, %dot_general3A_161 : vector<512x128xf32>
      %swap3A = arith.constant 0 : index
      %swap3A_178 = arith.constant 0 : index
      %swap3A_179 = vector.load %arg15[%swap3A, %swap3A_178] : memref<512x128xf32, #tpu.memory_space<vmem>>, vector<512x128xf32>
      tpu.vector_store %arg15[%swap3A, %swap3A_178], %max3A_177 {strides = array<i32>} : memref<512x128xf32, #tpu.memory_space<vmem>>, vector<512x128xf32>,
    } else {
    }
    return
  }
  func.func @transform_0(%arg0: i32, %arg1: memref<53xi32, #tpu.memory_space<smem>>, %arg2: memref<53xi32, #tpu.memory_space<smem>>, %arg3: memref<53xi32, #tpu.memory_space<smem>>) -> (i32, i32) {
    %c0_i32 = arith.constant 0 : i32
    %c0_i32_0 = arith.constant 0 : i32
    return %arg0, %c0_i32 : i32, i32
  }
  func.func @transform_1(%arg0: i32, %arg1: memref<53xi32, #tpu.memory_space<smem>>, %arg2: memref<53xi32, #tpu.memory_space<smem>>, %arg3: memref<53xi32, #tpu.memory_space<smem>>) -> (i32, i32) {
    %add3A = arith.constant 1 : i32
    %add3A_0 = arith.addi %arg0, %add3A : i32
    %c0_i32 = arith.constant 0 : i32
    %c0_i32_1 = arith.constant 0 : i32
    return %add3A_0, %c0_i32 : i32, i32
  }
  func.func @transform_2(%arg0: i32, %arg1: memref<53xi32, #tpu.memory_space<smem>>, %arg2: memref<53xi32, #tpu.memory_space<smem>>, %arg3: memref<53xi32, #tpu.memory_space<smem>>) -> (i32, i32) {
    %c0_i32 = arith.constant 0 : i32
    %c0_i32_0 = arith.constant 0 : i32
    return %arg0, %c0_i32 : i32, i32
  }
  func.func @transform_3(%arg0: i32, %arg1: memref<53xi32, #tpu.memory_space<smem>>, %arg2: memref<53xi32, #tpu.memory_space<smem>>, %arg3: memref<53xi32, #tpu.memory_space<smem>>) -> (i32, i32) {
    %add3A = arith.constant 1 : i32
    %add3A_0 = arith.addi %arg0, %add3A : i32
    %c0_i32 = arith.constant 0 : i32
    %c0_i32_1 = arith.constant 0 : i32
    return %add3A_0, %c0_i32 : i32, i32
  }
  func.func @transform_4(%arg0: i32, %arg1: memref<53xi32, #tpu.memory_space<smem>>, %arg2: memref<53xi32, #tpu.memory_space<smem>>, %arg3: memref<53xi32, #tpu.memory_space<smem>>) -> (i32, i32) {
    %c0_i32 = arith.constant 0 : i32
    %c0_i32_0 = arith.constant 0 : i32
    return %arg0, %c0_i32 : i32, i32
  }
  func.func @transform_5(%arg0: i32, %arg1: memref<53xi32, #tpu.memory_space<smem>>, %arg2: memref<53xi32, #tpu.memory_space<smem>>, %arg3: memref<53xi32, #tpu.memory_space<smem>>) -> (i32, i32) {
    %add3A = arith.constant 1 : i32
    %add3A_0 = arith.addi %arg0, %add3A : i32
    %c0_i32 = arith.constant 0 : i32
    %c0_i32_1 = arith.constant 0 : i32
    return %add3A_0, %c0_i32 : i32, i32
  }
  func.func @transform_6(%arg0: i32, %arg1: memref<53xi32, #tpu.memory_space<smem>>, %arg2: memref<53xi32, #tpu.memory_space<smem>>, %arg3: memref<53xi32, #tpu.memory_space<smem>>) -> (i32, i32) {
    %c0_i32 = arith.constant 0 : i32
    %c0_i32_0 = arith.constant 0 : i32
    %c0_i32_1 = arith.constant 0 : i32
    return %c0_i32, %c0_i32_0 : i32, i32
  }
  func.func @transform_7(%arg0: i32, %arg1: memref<53xi32, #tpu.memory_space<smem>>, %arg2: memref<53xi32, #tpu.memory_space<smem>>, %arg3: memref<53xi32, #tpu.memory_space<smem>>) -> (i32, i32) {
    %c0_i32 = arith.constant 0 : i32
    %c0_i32_0 = arith.constant 0 : i32
    %c0_i32_1 = arith.constant 0 : i32
    return %c0_i32, %c0_i32_0 : i32, i32
  }
  func.func @transform_8(%arg0: i32, %arg1: memref<53xi32, #tpu.memory_space<smem>>, %arg2: memref<53xi32, #tpu.memory_space<smem>>, %arg3: memref<53xi32, #tpu.memory_space<smem>>) -> (i32, i32) {
    %c0_i32 = arith.constant 0 : i32
    %c0_i32_0 = arith.constant 0 : i32
    %c0_i32_1 = arith.constant 0 : i32
    return %c0_i32, %c0_i32_0 : i32, i32
  }
  func.func @transform_9(%arg0: i32, %arg1: memref<53xi32, #tpu.memory_space<smem>>, %arg2: memref<53xi32, #tpu.memory_space<smem>>, %arg3: memref<53xi32, #tpu.memory_space<smem>>) -> (i32, i32) {
    %c0_i32 = arith.constant 0 : i32
    %c0_i32_0 = arith.constant 0 : i32
    %c0_i32_1 = arith.constant 0 : i32
    return %c0_i32, %c0_i32_0 : i32, i32
  }
  func.func @transform_10(%arg0: i32, %arg1: memref<53xi32, #tpu.memory_space<smem>>, %arg2: memref<53xi32, #tpu.memory_space<smem>>, %arg3: memref<53xi32, #tpu.memory_space<smem>>) -> (i32, i32) {
    %get3A = arith.index_cast %arg0 : i32 to index
    %get3A_0 = memref.load %arg1[%get3A] : memref<53xi32, #tpu.memory_space<smem>>
    %c0_i32 = arith.constant 0 : i32
    %c0_i32_1 = arith.constant 0 : i32
    return %get3A_0, %c0_i32 : i32, i32
  }
  func.func @transform_11(%arg0: i32, %arg1: memref<53xi32, #tpu.memory_space<smem>>, %arg2: memref<53xi32, #tpu.memory_space<smem>>, %arg3: memref<53xi32, #tpu.memory_space<smem>>) -> (i32, i32) {
    %get3A = arith.index_cast %arg0 : i32 to index
    %get3A_0 = memref.load %arg1[%get3A] : memref<53xi32, #tpu.memory_space<smem>>
    %add3A = arith.constant 1 : i32
    %add3A_1 = arith.addi %get3A_0, %add3A : i32
    %min3A = arith.constant 31 : i32
    %min3A_2 = arith.minsi %add3A_1, %min3A : i32
    %c0_i32 = arith.constant 0 : i32
    %c0_i32_3 = arith.constant 0 : i32
    return %min3A_2, %c0_i32 : i32, i32
  }
}

module attributes {stable_mosaic.version = 14 : i64} {
  func.func @_edge_stage2_kernel(%arg0: i32, %arg1: memref<33xi32, #tpu.memory_space<smem>>, %arg2: memref<33xi32, #tpu.memory_space<smem>>, %arg3: memref<33xi32, #tpu.memory_space<smem>>, %arg4: memref<512x128xf32, #tpu.memory_space<vmem>>, %arg5: memref<512x128xf32, #tpu.memory_space<vmem>>, %arg6: memref<256x256xf32, #tpu.memory_space<vmem>>, %arg7: memref<256x256xf32, #tpu.memory_space<vmem>>, %arg8: memref<256x8xi32, #tpu.memory_space<vmem>>, %arg9: memref<256x8xi32, #tpu.memory_space<vmem>>, %arg10: memref<256x8xi32, #tpu.memory_space<vmem>>, %arg11: memref<256x8xi32, #tpu.memory_space<vmem>>, %arg12: memref<128x128xf32, #tpu.memory_space<vmem>>, %arg13: memref<1x128xf32, #tpu.memory_space<vmem>>, %arg14: memref<128x256xf32, #tpu.memory_space<vmem>>, %arg15: memref<1x256xf32, #tpu.memory_space<vmem>>, %arg16: memref<256x256xf32, #tpu.memory_space<vmem>>, %arg17: memref<256x256xf32, #tpu.memory_space<vmem>>) attributes {dimension_semantics = [#tpu.dimension_semantics<arbitrary>], iteration_bounds = array<i64: 33>, scalar_prefetch = 3 : i64, scratch_operands = 0 : i64, tpu.core_type = #tpu.core_type<tc>, window_params = [{transform_indices = @transform_0, window_bounds = array<i64: 512, 128>}, {transform_indices = @transform_1, window_bounds = array<i64: 512, 128>}, {transform_indices = @transform_2, window_bounds = array<i64: 256, 256>}, {transform_indices = @transform_3, window_bounds = array<i64: 256, 256>}, {transform_indices = @transform_4, window_bounds = array<i64: 256, 8>}, {transform_indices = @transform_5, window_bounds = array<i64: 256, 8>}, {transform_indices = @transform_6, window_bounds = array<i64: 256, 8>}, {transform_indices = @transform_7, window_bounds = array<i64: 256, 8>}, {pipeline_mode = #tpu.pipeline_mode<synchronous>, transform_indices = @transform_8, window_bounds = array<i64: 128, 128>}, {pipeline_mode = #tpu.pipeline_mode<synchronous>, transform_indices = @transform_9, window_bounds = array<i64: 1, 128>}, {pipeline_mode = #tpu.pipeline_mode<synchronous>, transform_indices = @transform_10, window_bounds = array<i64: 128, 256>}, {pipeline_mode = #tpu.pipeline_mode<synchronous>, transform_indices = @transform_11, window_bounds = array<i64: 1, 256>}, {transform_indices = @transform_12, window_bounds = array<i64: 256, 256>}, {transform_indices = @transform_13, window_bounds = array<i64: 256, 256>}]} {
    %get3A = arith.constant 0 : index
    %get3A_0 = arith.constant 0 : index
    %get3A_1 = vector.load %arg4[%get3A, %get3A_0] : memref<512x128xf32, #tpu.memory_space<vmem>>, vector<512x128xf32>
    %get3A_2 = arith.constant 0 : index
    %get3A_3 = arith.constant 0 : index
    %get3A_4 = vector.load %arg5[%get3A_2, %get3A_3] : memref<512x128xf32, #tpu.memory_space<vmem>>, vector<512x128xf32>
    %concatenate3A = tpu.concatenate %get3A_1, %get3A_4 in 0 : vector<512x128xf32>, vector<512x128xf32> -> vector<1024x128xf32>
    %get3A_5 = arith.constant 0 : index
    %get3A_6 = arith.constant 0 : index
    %get3A_7 = vector.load %arg6[%get3A_5, %get3A_6] : memref<256x256xf32, #tpu.memory_space<vmem>>, vector<256x256xf32>
    %get3A_8 = arith.constant 0 : index
    %get3A_9 = arith.constant 0 : index
    %get3A_10 = vector.load %arg7[%get3A_8, %get3A_9] : memref<256x256xf32, #tpu.memory_space<vmem>>, vector<256x256xf32>
    %concatenate3A_11 = tpu.concatenate %get3A_7, %get3A_10 in 0 : vector<256x256xf32>, vector<256x256xf32> -> vector<512x256xf32>
    %get3A_12 = arith.constant 0 : index
    %get3A_13 = arith.constant 0 : index
    %get3A_14 = vector.load %arg8[%get3A_12, %get3A_13] : memref<256x8xi32, #tpu.memory_space<vmem>>, vector<256x8xi32>
    %get3A_15 = arith.constant 0 : index
    %get3A_16 = arith.constant 0 : index
    %get3A_17 = vector.load %arg9[%get3A_15, %get3A_16] : memref<256x8xi32, #tpu.memory_space<vmem>>, vector<256x8xi32>
    %slice3A = vector.extract_strided_slice %get3A_17 {offsets = [0, 0], sizes = [32, 8], strides = [1, 1]} : vector<256x8xi32> to vector<32x8xi32>
    %concatenate3A_18 = tpu.concatenate %get3A_14, %slice3A in 0 : vector<256x8xi32>, vector<32x8xi32> -> vector<288x8xi32>
    %get3A_19 = arith.constant 0 : index
    %get3A_20 = arith.constant 0 : index
    %get3A_21 = vector.load %arg10[%get3A_19, %get3A_20] : memref<256x8xi32, #tpu.memory_space<vmem>>, vector<256x8xi32>
    %get3A_22 = arith.constant 0 : index
    %get3A_23 = arith.constant 0 : index
    %get3A_24 = vector.load %arg11[%get3A_22, %get3A_23] : memref<256x8xi32, #tpu.memory_space<vmem>>, vector<256x8xi32>
    %slice3A_25 = vector.extract_strided_slice %get3A_24 {offsets = [0, 0], sizes = [32, 8], strides = [1, 1]} : vector<256x8xi32> to vector<32x8xi32>
    %concatenate3A_26 = tpu.concatenate %get3A_21, %slice3A_25 in 0 : vector<256x8xi32>, vector<32x8xi32> -> vector<288x8xi32>
    %get3A_27 = arith.index_cast %arg0 : i32 to index
    %get3A_28 = memref.load %arg1[%get3A_27] : memref<33xi32, #tpu.memory_space<smem>>
    %mul3A = arith.constant 512 : i32
    %mul3A_29 = arith.muli %get3A_28, %mul3A : i32
    %iota3A = tpu.iota {dimensions = array<i32: 1>} : vector<288x1024xi32>
    %add3A = vector.broadcast %mul3A_29 : i32 to vector<288x1024xi32>
    %add3A_30 = arith.addi %iota3A, %add3A : vector<288x1024xi32>
    %slice3A_31 = vector.extract_strided_slice %concatenate3A_18 {offsets = [0, 0], sizes = [288, 1], strides = [1, 1]} : vector<288x8xi32> to vector<288x1xi32>
    %eq3A = vector.broadcast %slice3A_31 : vector<288x1xi32> to vector<288x1024xi32>
    %eq3A_32 = arith.cmpi eq, %add3A_30, %eq3A : vector<288x1024xi32>
    %convert_element_type3A = arith.extui %eq3A_32 : vector<288x1024xi1> to vector<288x1024xi32>
    %convert_element_type3A_33 = arith.sitofp %convert_element_type3A : vector<288x1024xi32> to vector<288x1024xf32>
    %convert_element_type3A_34 = arith.truncf %convert_element_type3A_33 : vector<288x1024xf32> to vector<288x1024xbf16>
    %convert_element_type3A_35 = arith.truncf %concatenate3A : vector<1024x128xf32> to vector<1024x128xbf16>
    %dot_general3A = arith.constant dense<0.000000e+00> : vector<288x128xf32>
    %dot_general3A_36 = tpu.matmul %convert_element_type3A_34, %convert_element_type3A_35, %dot_general3A {dimension_numbers = #tpu.dot_dimension_numbers<[1], [0], [0], [1], [0, 0, 1, 1], [], []>, transpose_lhs_hint = false} : vector<288x1024xbf16>, vector<1024x128xbf16>, vector<288x128xf32> -> vector<288x128xf32>
    %get3A_37 = arith.index_cast %arg0 : i32 to index
    %get3A_38 = memref.load %arg1[%get3A_37] : memref<33xi32, #tpu.memory_space<smem>>
    %mul3A_39 = arith.constant 256 : i32
    %mul3A_40 = arith.muli %get3A_38, %mul3A_39 : i32
    %iota3A_41 = tpu.iota {dimensions = array<i32: 1>} : vector<288x512xi32>
    %add3A_42 = vector.broadcast %mul3A_40 : i32 to vector<288x512xi32>
    %add3A_43 = arith.addi %iota3A_41, %add3A_42 : vector<288x512xi32>
    %slice3A_44 = vector.extract_strided_slice %concatenate3A_26 {offsets = [0, 0], sizes = [288, 1], strides = [1, 1]} : vector<288x8xi32> to vector<288x1xi32>
    %eq3A_45 = vector.broadcast %slice3A_44 : vector<288x1xi32> to vector<288x512xi32>
    %eq3A_46 = arith.cmpi eq, %add3A_43, %eq3A_45 : vector<288x512xi32>
    %convert_element_type3A_47 = arith.extui %eq3A_46 : vector<288x512xi1> to vector<288x512xi32>
    %convert_element_type3A_48 = arith.sitofp %convert_element_type3A_47 : vector<288x512xi32> to vector<288x512xf32>
    %convert_element_type3A_49 = arith.truncf %convert_element_type3A_48 : vector<288x512xf32> to vector<288x512xbf16>
    %convert_element_type3A_50 = arith.truncf %concatenate3A_11 : vector<512x256xf32> to vector<512x256xbf16>
    %dot_general3A_51 = arith.constant dense<0.000000e+00> : vector<288x256xf32>
    %dot_general3A_52 = tpu.matmul %convert_element_type3A_49, %convert_element_type3A_50, %dot_general3A_51 {dimension_numbers = #tpu.dot_dimension_numbers<[1], [0], [0], [1], [0, 0, 1, 1], [], []>, transpose_lhs_hint = false} : vector<288x512xbf16>, vector<512x256xbf16>, vector<288x256xf32> -> vector<288x256xf32>
    %slice3A_53 = vector.extract_strided_slice %dot_general3A_52 {offsets = [0, 0], sizes = [288, 128], strides = [1, 1]} : vector<288x256xf32> to vector<288x128xf32>
    %add3A_54 = arith.addf %dot_general3A_36, %slice3A_53 : vector<288x128xf32>
    %max3A = arith.constant 0.000000e+00 : f32
    %max3A_55 = vector.broadcast %max3A : f32 to vector<288x128xf32>
    %max3A_56 = arith.maximumf %add3A_54, %max3A_55 : vector<288x128xf32>
    %get3A_57 = arith.constant 0 : index
    %get3A_58 = arith.constant 0 : index
    %get3A_59 = vector.load %arg12[%get3A_57, %get3A_58] : memref<128x128xf32, #tpu.memory_space<vmem>>, vector<128x128xf32>
    %dot_general3A_60 = arith.constant dense<0.000000e+00> : vector<288x128xf32>
    %dot_general3A_61 = tpu.matmul %max3A_56, %get3A_59, %dot_general3A_60 {dimension_numbers = #tpu.dot_dimension_numbers<[1], [0], [0], [1], [0, 0, 1, 1], [], []>, transpose_lhs_hint = false} : vector<288x128xf32>, vector<128x128xf32>, vector<288x128xf32> -> vector<288x128xf32>
    %get3A_62 = arith.constant 0 : index
    %get3A_63 = arith.constant 0 : index
    %get3A_64 = vector.load %arg13[%get3A_62, %get3A_63] : memref<1x128xf32, #tpu.memory_space<vmem>>, vector<1x128xf32>
    %add3A_65 = vector.broadcast %get3A_64 : vector<1x128xf32> to vector<288x128xf32>
    %add3A_66 = arith.addf %dot_general3A_61, %add3A_65 : vector<288x128xf32>
    %max3A_67 = arith.constant 0.000000e+00 : f32
    %max3A_68 = vector.broadcast %max3A_67 : f32 to vector<288x128xf32>
    %max3A_69 = arith.maximumf %add3A_66, %max3A_68 : vector<288x128xf32>
    %get3A_70 = arith.constant 0 : index
    %get3A_71 = arith.constant 0 : index
    %get3A_72 = vector.load %arg14[%get3A_70, %get3A_71] : memref<128x256xf32, #tpu.memory_space<vmem>>, vector<128x256xf32>
    %dot_general3A_73 = arith.constant dense<0.000000e+00> : vector<288x256xf32>
    %dot_general3A_74 = tpu.matmul %max3A_69, %get3A_72, %dot_general3A_73 {dimension_numbers = #tpu.dot_dimension_numbers<[1], [0], [0], [1], [0, 0, 1, 1], [], []>, transpose_lhs_hint = false} : vector<288x128xf32>, vector<128x256xf32>, vector<288x256xf32> -> vector<288x256xf32>
    %get3A_75 = arith.constant 0 : index
    %get3A_76 = arith.constant 0 : index
    %get3A_77 = vector.load %arg15[%get3A_75, %get3A_76] : memref<1x256xf32, #tpu.memory_space<vmem>>, vector<1x256xf32>
    %add3A_78 = vector.broadcast %get3A_77 : vector<1x256xf32> to vector<288x256xf32>
    %add3A_79 = arith.addf %dot_general3A_74, %add3A_78 : vector<288x256xf32>
    %max3A_80 = arith.constant 0.000000e+00 : f32
    %max3A_81 = vector.broadcast %max3A_80 : f32 to vector<288x256xf32>
    %max3A_82 = arith.maximumf %add3A_79, %max3A_81 : vector<288x256xf32>
    %slice3A_83 = vector.extract_strided_slice %max3A_82 {offsets = [1, 0], sizes = [287, 256], strides = [1, 1]} : vector<288x256xf32> to vector<287x256xf32>
    %slice3A_84 = vector.extract_strided_slice %max3A_82 {offsets = [0, 0], sizes = [1, 256], strides = [1, 1]} : vector<288x256xf32> to vector<1x256xf32>
    %concatenate3A_85 = tpu.concatenate %slice3A_83, %slice3A_84 in 0 : vector<287x256xf32>, vector<1x256xf32> -> vector<288x256xf32>
    %slice3A_86 = vector.extract_strided_slice %concatenate3A_26 {offsets = [1, 0], sizes = [287, 8], strides = [1, 1]} : vector<288x8xi32> to vector<287x8xi32>
    %slice3A_87 = vector.extract_strided_slice %concatenate3A_26 {offsets = [0, 0], sizes = [1, 8], strides = [1, 1]} : vector<288x8xi32> to vector<1x8xi32>
    %concatenate3A_88 = tpu.concatenate %slice3A_86, %slice3A_87 in 0 : vector<287x8xi32>, vector<1x8xi32> -> vector<288x8xi32>
    %slice3A_89 = vector.extract_strided_slice %concatenate3A_88 {offsets = [0, 0], sizes = [288, 1], strides = [1, 1]} : vector<288x8xi32> to vector<288x1xi32>
    %slice3A_90 = vector.extract_strided_slice %concatenate3A_26 {offsets = [0, 0], sizes = [288, 1], strides = [1, 1]} : vector<288x8xi32> to vector<288x1xi32>
    %eq3A_91 = arith.cmpi eq, %slice3A_89, %slice3A_90 : vector<288x1xi32>
    %max3A_92 = arith.maximumf %max3A_82, %concatenate3A_85 : vector<288x256xf32>
    %broadcast_in_dim3A = vector.shape_cast %eq3A_91 : vector<288x1xi1> to vector<288x1xi1>
    %broadcast_in_dim3A_93 = vector.broadcast %broadcast_in_dim3A : vector<288x1xi1> to vector<288x256xi1>
    %select_n3A = arith.select %broadcast_in_dim3A_93, %max3A_92, %max3A_82 : vector<288x256xi1>, vector<288x256xf32>
    %slice3A_94 = vector.extract_strided_slice %select_n3A {offsets = [2, 0], sizes = [286, 256], strides = [1, 1]} : vector<288x256xf32> to vector<286x256xf32>
    %slice3A_95 = vector.extract_strided_slice %select_n3A {offsets = [0, 0], sizes = [2, 256], strides = [1, 1]} : vector<288x256xf32> to vector<2x256xf32>
    %concatenate3A_96 = tpu.concatenate %slice3A_94, %slice3A_95 in 0 : vector<286x256xf32>, vector<2x256xf32> -> vector<288x256xf32>
    %slice3A_97 = vector.extract_strided_slice %concatenate3A_26 {offsets = [2, 0], sizes = [286, 8], strides = [1, 1]} : vector<288x8xi32> to vector<286x8xi32>
    %slice3A_98 = vector.extract_strided_slice %concatenate3A_26 {offsets = [0, 0], sizes = [2, 8], strides = [1, 1]} : vector<288x8xi32> to vector<2x8xi32>
    %concatenate3A_99 = tpu.concatenate %slice3A_97, %slice3A_98 in 0 : vector<286x8xi32>, vector<2x8xi32> -> vector<288x8xi32>
    %slice3A_100 = vector.extract_strided_slice %concatenate3A_99 {offsets = [0, 0], sizes = [288, 1], strides = [1, 1]} : vector<288x8xi32> to vector<288x1xi32>
    %slice3A_101 = vector.extract_strided_slice %concatenate3A_26 {offsets = [0, 0], sizes = [288, 1], strides = [1, 1]} : vector<288x8xi32> to vector<288x1xi32>
    %eq3A_102 = arith.cmpi eq, %slice3A_100, %slice3A_101 : vector<288x1xi32>
    %max3A_103 = arith.maximumf %select_n3A, %concatenate3A_96 : vector<288x256xf32>
    %broadcast_in_dim3A_104 = vector.shape_cast %eq3A_102 : vector<288x1xi1> to vector<288x1xi1>
    %broadcast_in_dim3A_105 = vector.broadcast %broadcast_in_dim3A_104 : vector<288x1xi1> to vector<288x256xi1>
    %select_n3A_106 = arith.select %broadcast_in_dim3A_105, %max3A_103, %select_n3A : vector<288x256xi1>, vector<288x256xf32>
    %slice3A_107 = vector.extract_strided_slice %select_n3A_106 {offsets = [4, 0], sizes = [284, 256], strides = [1, 1]} : vector<288x256xf32> to vector<284x256xf32>
    %slice3A_108 = vector.extract_strided_slice %select_n3A_106 {offsets = [0, 0], sizes = [4, 256], strides = [1, 1]} : vector<288x256xf32> to vector<4x256xf32>
    %concatenate3A_109 = tpu.concatenate %slice3A_107, %slice3A_108 in 0 : vector<284x256xf32>, vector<4x256xf32> -> vector<288x256xf32>
    %slice3A_110 = vector.extract_strided_slice %concatenate3A_26 {offsets = [4, 0], sizes = [284, 8], strides = [1, 1]} : vector<288x8xi32> to vector<284x8xi32>
    %slice3A_111 = vector.extract_strided_slice %concatenate3A_26 {offsets = [0, 0], sizes = [4, 8], strides = [1, 1]} : vector<288x8xi32> to vector<4x8xi32>
    %concatenate3A_112 = tpu.concatenate %slice3A_110, %slice3A_111 in 0 : vector<284x8xi32>, vector<4x8xi32> -> vector<288x8xi32>
    %slice3A_113 = vector.extract_strided_slice %concatenate3A_112 {offsets = [0, 0], sizes = [288, 1], strides = [1, 1]} : vector<288x8xi32> to vector<288x1xi32>
    %slice3A_114 = vector.extract_strided_slice %concatenate3A_26 {offsets = [0, 0], sizes = [288, 1], strides = [1, 1]} : vector<288x8xi32> to vector<288x1xi32>
    %eq3A_115 = arith.cmpi eq, %slice3A_113, %slice3A_114 : vector<288x1xi32>
    %max3A_116 = arith.maximumf %select_n3A_106, %concatenate3A_109 : vector<288x256xf32>
    %broadcast_in_dim3A_117 = vector.shape_cast %eq3A_115 : vector<288x1xi1> to vector<288x1xi1>
    %broadcast_in_dim3A_118 = vector.broadcast %broadcast_in_dim3A_117 : vector<288x1xi1> to vector<288x256xi1>
    %select_n3A_119 = arith.select %broadcast_in_dim3A_118, %max3A_116, %select_n3A_106 : vector<288x256xi1>, vector<288x256xf32>
    %slice3A_120 = vector.extract_strided_slice %select_n3A_119 {offsets = [8, 0], sizes = [280, 256], strides = [1, 1]} : vector<288x256xf32> to vector<280x256xf32>
    %slice3A_121 = vector.extract_strided_slice %select_n3A_119 {offsets = [0, 0], sizes = [8, 256], strides = [1, 1]} : vector<288x256xf32> to vector<8x256xf32>
    %concatenate3A_122 = tpu.concatenate %slice3A_120, %slice3A_121 in 0 : vector<280x256xf32>, vector<8x256xf32> -> vector<288x256xf32>
    %slice3A_123 = vector.extract_strided_slice %concatenate3A_26 {offsets = [8, 0], sizes = [280, 8], strides = [1, 1]} : vector<288x8xi32> to vector<280x8xi32>
    %slice3A_124 = vector.extract_strided_slice %concatenate3A_26 {offsets = [0, 0], sizes = [8, 8], strides = [1, 1]} : vector<288x8xi32> to vector<8x8xi32>
    %concatenate3A_125 = tpu.concatenate %slice3A_123, %slice3A_124 in 0 : vector<280x8xi32>, vector<8x8xi32> -> vector<288x8xi32>
    %slice3A_126 = vector.extract_strided_slice %concatenate3A_125 {offsets = [0, 0], sizes = [288, 1], strides = [1, 1]} : vector<288x8xi32> to vector<288x1xi32>
    %slice3A_127 = vector.extract_strided_slice %concatenate3A_26 {offsets = [0, 0], sizes = [288, 1], strides = [1, 1]} : vector<288x8xi32> to vector<288x1xi32>
    %eq3A_128 = arith.cmpi eq, %slice3A_126, %slice3A_127 : vector<288x1xi32>
    %max3A_129 = arith.maximumf %select_n3A_119, %concatenate3A_122 : vector<288x256xf32>
    %broadcast_in_dim3A_130 = vector.shape_cast %eq3A_128 : vector<288x1xi1> to vector<288x1xi1>
    %broadcast_in_dim3A_131 = vector.broadcast %broadcast_in_dim3A_130 : vector<288x1xi1> to vector<288x256xi1>
    %select_n3A_132 = arith.select %broadcast_in_dim3A_131, %max3A_129, %select_n3A_119 : vector<288x256xi1>, vector<288x256xf32>
    %slice3A_133 = vector.extract_strided_slice %select_n3A_132 {offsets = [16, 0], sizes = [272, 256], strides = [1, 1]} : vector<288x256xf32> to vector<272x256xf32>
    %slice3A_134 = vector.extract_strided_slice %select_n3A_132 {offsets = [0, 0], sizes = [16, 256], strides = [1, 1]} : vector<288x256xf32> to vector<16x256xf32>
    %concatenate3A_135 = tpu.concatenate %slice3A_133, %slice3A_134 in 0 : vector<272x256xf32>, vector<16x256xf32> -> vector<288x256xf32>
    %slice3A_136 = vector.extract_strided_slice %concatenate3A_26 {offsets = [16, 0], sizes = [272, 8], strides = [1, 1]} : vector<288x8xi32> to vector<272x8xi32>
    %slice3A_137 = vector.extract_strided_slice %concatenate3A_26 {offsets = [0, 0], sizes = [16, 8], strides = [1, 1]} : vector<288x8xi32> to vector<16x8xi32>
    %concatenate3A_138 = tpu.concatenate %slice3A_136, %slice3A_137 in 0 : vector<272x8xi32>, vector<16x8xi32> -> vector<288x8xi32>
    %slice3A_139 = vector.extract_strided_slice %concatenate3A_138 {offsets = [0, 0], sizes = [288, 1], strides = [1, 1]} : vector<288x8xi32> to vector<288x1xi32>
    %slice3A_140 = vector.extract_strided_slice %concatenate3A_26 {offsets = [0, 0], sizes = [288, 1], strides = [1, 1]} : vector<288x8xi32> to vector<288x1xi32>
    %eq3A_141 = arith.cmpi eq, %slice3A_139, %slice3A_140 : vector<288x1xi32>
    %max3A_142 = arith.maximumf %select_n3A_132, %concatenate3A_135 : vector<288x256xf32>
    %broadcast_in_dim3A_143 = vector.shape_cast %eq3A_141 : vector<288x1xi1> to vector<288x1xi1>
    %broadcast_in_dim3A_144 = vector.broadcast %broadcast_in_dim3A_143 : vector<288x1xi1> to vector<288x256xi1>
    %select_n3A_145 = arith.select %broadcast_in_dim3A_144, %max3A_142, %select_n3A_132 : vector<288x256xi1>, vector<288x256xf32>
    %iota3A_146 = tpu.iota {dimensions = array<i32: 0>} : vector<288x1xi32>
    %slice3A_147 = vector.extract_strided_slice %concatenate3A_26 {offsets = [0, 0], sizes = [288, 1], strides = [1, 1]} : vector<288x8xi32> to vector<288x1xi32>
    %slice3A_148 = vector.extract_strided_slice %concatenate3A_26 {offsets = [0, 1], sizes = [288, 1], strides = [1, 1]} : vector<288x8xi32> to vector<288x1xi32>
    %ne3A = arith.cmpi ne, %slice3A_147, %slice3A_148 : vector<288x1xi32>
    %lt3A = arith.constant 256 : i32
    %lt3A_149 = vector.broadcast %lt3A : i32 to vector<288x1xi32>
    %lt3A_150 = arith.cmpi slt, %iota3A_146, %lt3A_149 : vector<288x1xi32>
    %and3A = arith.andi %ne3A, %lt3A_150 : vector<288x1xi1>
    %slice3A_151 = vector.extract_strided_slice %concatenate3A_26 {offsets = [0, 0], sizes = [288, 1], strides = [1, 1]} : vector<288x8xi32> to vector<288x1xi32>
    %iota3A_152 = tpu.iota {dimensions = array<i32: 1>} : vector<288x256xi32>
    %get3A_153 = arith.index_cast %arg0 : i32 to index
    %get3A_154 = memref.load %arg1[%get3A_153] : memref<33xi32, #tpu.memory_space<smem>>
    %mul3A_155 = arith.constant 256 : i32
    %mul3A_156 = arith.muli %get3A_154, %mul3A_155 : i32
    %add3A_157 = vector.broadcast %mul3A_156 : i32 to vector<288x256xi32>
    %add3A_158 = arith.addi %iota3A_152, %add3A_157 : vector<288x256xi32>
    %convert_element_type3A_159 = arith.truncf %select_n3A_145 : vector<288x256xf32> to vector<288x256xbf16>
    %eq3A_160 = vector.broadcast %slice3A_151 : vector<288x1xi32> to vector<288x256xi32>
    %eq3A_161 = arith.cmpi eq, %eq3A_160, %add3A_158 : vector<288x256xi32>
    %and3A_162 = vector.broadcast %and3A : vector<288x1xi1> to vector<288x256xi1>
    %and3A_163 = arith.andi %eq3A_161, %and3A_162 : vector<288x256xi1>
    %convert_element_type3A_164 = arith.extui %and3A_163 : vector<288x256xi1> to vector<288x256xi32>
    %convert_element_type3A_165 = arith.sitofp %convert_element_type3A_164 : vector<288x256xi32> to vector<288x256xf32>
    %convert_element_type3A_166 = arith.truncf %convert_element_type3A_165 : vector<288x256xf32> to vector<288x256xbf16>
    %dot_general3A_167 = arith.constant dense<0.000000e+00> : vector<256x256xf32>
    %dot_general3A_168 = tpu.matmul %convert_element_type3A_166, %convert_element_type3A_159, %dot_general3A_167 {dimension_numbers = #tpu.dot_dimension_numbers<[0], [0], [1], [1], [0, 1, 1, 1], [], []>, transpose_lhs_hint = false} : vector<288x256xbf16>, vector<288x256xbf16>, vector<256x256xf32> -> vector<256x256xf32>
    %get3A_169 = arith.index_cast %arg0 : i32 to index
    %get3A_170 = memref.load %arg2[%get3A_169] : memref<33xi32, #tpu.memory_space<smem>>
    %eq3A_171 = arith.constant 1 : i32
    %eq3A_172 = arith.cmpi eq, %get3A_170, %eq3A_171 : i32
    %convert_element_type3A_173 = arith.extui %eq3A_172 : i1 to i32
    %cond3A = arith.constant 0 : i32
    %cond3A_174 = arith.cmpi ne, %convert_element_type3A_173, %cond3A : i32
    scf.if %cond3A_174 {
      %swap3A = arith.constant 0 : index
      %swap3A_211 = arith.constant 0 : index
      %swap3A_212 = vector.load %arg16[%swap3A, %swap3A_211] : memref<256x256xf32, #tpu.memory_space<vmem>>, vector<256x256xf32>
      tpu.vector_store %arg16[%swap3A, %swap3A_211], %dot_general3A_168 {strides = array<i32>} : memref<256x256xf32, #tpu.memory_space<vmem>>, vector<256x256xf32>,
    } else {
    }
    %eq3A_175 = arith.constant 0 : i32
    %eq3A_176 = arith.cmpi eq, %get3A_170, %eq3A_175 : i32
    %convert_element_type3A_177 = arith.extui %eq3A_176 : i1 to i32
    %cond3A_178 = arith.constant 0 : i32
    %cond3A_179 = arith.cmpi ne, %convert_element_type3A_177, %cond3A_178 : i32
    scf.if %cond3A_179 {
      %get3A_211 = arith.constant 0 : index
      %get3A_212 = arith.constant 0 : index
      %get3A_213 = vector.load %arg16[%get3A_211, %get3A_212] : memref<256x256xf32, #tpu.memory_space<vmem>>, vector<256x256xf32>
      %max3A_214 = arith.maximumf %get3A_213, %dot_general3A_168 : vector<256x256xf32>
      %swap3A = arith.constant 0 : index
      %swap3A_215 = arith.constant 0 : index
      %swap3A_216 = vector.load %arg16[%swap3A, %swap3A_215] : memref<256x256xf32, #tpu.memory_space<vmem>>, vector<256x256xf32>
      tpu.vector_store %arg16[%swap3A, %swap3A_215], %max3A_214 {strides = array<i32>} : memref<256x256xf32, #tpu.memory_space<vmem>>, vector<256x256xf32>,
    } else {
    }
    %get3A_180 = arith.index_cast %arg0 : i32 to index
    %get3A_181 = memref.load %arg1[%get3A_180] : memref<33xi32, #tpu.memory_space<smem>>
    %add3A_182 = arith.constant 1 : i32
    %add3A_183 = arith.addi %get3A_181, %add3A_182 : i32
    %min3A = arith.constant 31 : i32
    %min3A_184 = arith.minsi %add3A_183, %min3A : i32
    %iota3A_185 = tpu.iota {dimensions = array<i32: 1>} : vector<288x256xi32>
    %mul3A_186 = arith.constant 256 : i32
    %mul3A_187 = arith.muli %min3A_184, %mul3A_186 : i32
    %add3A_188 = vector.broadcast %mul3A_187 : i32 to vector<288x256xi32>
    %add3A_189 = arith.addi %iota3A_185, %add3A_188 : vector<288x256xi32>
    %eq3A_190 = vector.broadcast %slice3A_151 : vector<288x1xi32> to vector<288x256xi32>
    %eq3A_191 = arith.cmpi eq, %eq3A_190, %add3A_189 : vector<288x256xi32>
    %and3A_192 = vector.broadcast %and3A : vector<288x1xi1> to vector<288x256xi1>
    %and3A_193 = arith.andi %eq3A_191, %and3A_192 : vector<288x256xi1>
    %convert_element_type3A_194 = arith.extui %and3A_193 : vector<288x256xi1> to vector<288x256xi32>
    %convert_element_type3A_195 = arith.sitofp %convert_element_type3A_194 : vector<288x256xi32> to vector<288x256xf32>
    %convert_element_type3A_196 = arith.truncf %convert_element_type3A_195 : vector<288x256xf32> to vector<288x256xbf16>
    %dot_general3A_197 = arith.constant dense<0.000000e+00> : vector<256x256xf32>
    %dot_general3A_198 = tpu.matmul %convert_element_type3A_196, %convert_element_type3A_159, %dot_general3A_197 {dimension_numbers = #tpu.dot_dimension_numbers<[0], [0], [1], [1], [0, 1, 1, 1], [], []>, transpose_lhs_hint = false} : vector<288x256xbf16>, vector<288x256xbf16>, vector<256x256xf32> -> vector<256x256xf32>
    %get3A_199 = arith.index_cast %arg0 : i32 to index
    %get3A_200 = memref.load %arg3[%get3A_199] : memref<33xi32, #tpu.memory_space<smem>>
    %eq3A_201 = arith.constant 1 : i32
    %eq3A_202 = arith.cmpi eq, %get3A_200, %eq3A_201 : i32
    %convert_element_type3A_203 = arith.extui %eq3A_202 : i1 to i32
    %cond3A_204 = arith.constant 0 : i32
    %cond3A_205 = arith.cmpi ne, %convert_element_type3A_203, %cond3A_204 : i32
    scf.if %cond3A_205 {
      %swap3A = arith.constant 0 : index
      %swap3A_211 = arith.constant 0 : index
      %swap3A_212 = vector.load %arg17[%swap3A, %swap3A_211] : memref<256x256xf32, #tpu.memory_space<vmem>>, vector<256x256xf32>
      tpu.vector_store %arg17[%swap3A, %swap3A_211], %dot_general3A_198 {strides = array<i32>} : memref<256x256xf32, #tpu.memory_space<vmem>>, vector<256x256xf32>,
    } else {
    }
    %eq3A_206 = arith.constant 0 : i32
    %eq3A_207 = arith.cmpi eq, %get3A_200, %eq3A_206 : i32
    %convert_element_type3A_208 = arith.extui %eq3A_207 : i1 to i32
    %cond3A_209 = arith.constant 0 : i32
    %cond3A_210 = arith.cmpi ne, %convert_element_type3A_208, %cond3A_209 : i32
    scf.if %cond3A_210 {
      %get3A_211 = arith.constant 0 : index
      %get3A_212 = arith.constant 0 : index
      %get3A_213 = vector.load %arg17[%get3A_211, %get3A_212] : memref<256x256xf32, #tpu.memory_space<vmem>>, vector<256x256xf32>
      %max3A_214 = arith.maximumf %get3A_213, %dot_general3A_198 : vector<256x256xf32>
      %swap3A = arith.constant 0 : index
      %swap3A_215 = arith.constant 0 : index
      %swap3A_216 = vector.load %arg17[%swap3A, %swap3A_215] : memref<256x256xf32, #tpu.memory_space<vmem>>, vector<256x256xf32>
      tpu.vector_store %arg17[%swap3A, %swap3A_215], %max3A_214 {strides = array<i32>} : memref<256x256xf32, #tpu.memory_space<vmem>>, vector<256x256xf32>,
    } else {
    }
    return
  }
  func.func @transform_0(%arg0: i32, %arg1: memref<33xi32, #tpu.memory_space<smem>>, %arg2: memref<33xi32, #tpu.memory_space<smem>>, %arg3: memref<33xi32, #tpu.memory_space<smem>>) -> (i32, i32) {
    %get3A = arith.index_cast %arg0 : i32 to index
    %get3A_0 = memref.load %arg1[%get3A] : memref<33xi32, #tpu.memory_space<smem>>
    %c0_i32 = arith.constant 0 : i32
    %c0_i32_1 = arith.constant 0 : i32
    return %get3A_0, %c0_i32 : i32, i32
  }
  func.func @transform_1(%arg0: i32, %arg1: memref<33xi32, #tpu.memory_space<smem>>, %arg2: memref<33xi32, #tpu.memory_space<smem>>, %arg3: memref<33xi32, #tpu.memory_space<smem>>) -> (i32, i32) {
    %get3A = arith.index_cast %arg0 : i32 to index
    %get3A_0 = memref.load %arg1[%get3A] : memref<33xi32, #tpu.memory_space<smem>>
    %add3A = arith.constant 1 : i32
    %add3A_1 = arith.addi %get3A_0, %add3A : i32
    %min3A = arith.constant 31 : i32
    %min3A_2 = arith.minsi %add3A_1, %min3A : i32
    %c0_i32 = arith.constant 0 : i32
    %c0_i32_3 = arith.constant 0 : i32
    return %min3A_2, %c0_i32 : i32, i32
  }
  func.func @transform_2(%arg0: i32, %arg1: memref<33xi32, #tpu.memory_space<smem>>, %arg2: memref<33xi32, #tpu.memory_space<smem>>, %arg3: memref<33xi32, #tpu.memory_space<smem>>) -> (i32, i32) {
    %get3A = arith.index_cast %arg0 : i32 to index
    %get3A_0 = memref.load %arg1[%get3A] : memref<33xi32, #tpu.memory_space<smem>>
    %c0_i32 = arith.constant 0 : i32
    %c0_i32_1 = arith.constant 0 : i32
    return %get3A_0, %c0_i32 : i32, i32
  }
  func.func @transform_3(%arg0: i32, %arg1: memref<33xi32, #tpu.memory_space<smem>>, %arg2: memref<33xi32, #tpu.memory_space<smem>>, %arg3: memref<33xi32, #tpu.memory_space<smem>>) -> (i32, i32) {
    %get3A = arith.index_cast %arg0 : i32 to index
    %get3A_0 = memref.load %arg1[%get3A] : memref<33xi32, #tpu.memory_space<smem>>
    %add3A = arith.constant 1 : i32
    %add3A_1 = arith.addi %get3A_0, %add3A : i32
    %min3A = arith.constant 31 : i32
    %min3A_2 = arith.minsi %add3A_1, %min3A : i32
    %c0_i32 = arith.constant 0 : i32
    %c0_i32_3 = arith.constant 0 : i32
    return %min3A_2, %c0_i32 : i32, i32
  }
  func.func @transform_4(%arg0: i32, %arg1: memref<33xi32, #tpu.memory_space<smem>>, %arg2: memref<33xi32, #tpu.memory_space<smem>>, %arg3: memref<33xi32, #tpu.memory_space<smem>>) -> (i32, i32) {
    %c0_i32 = arith.constant 0 : i32
    %c0_i32_0 = arith.constant 0 : i32
    return %arg0, %c0_i32 : i32, i32
  }
  func.func @transform_5(%arg0: i32, %arg1: memref<33xi32, #tpu.memory_space<smem>>, %arg2: memref<33xi32, #tpu.memory_space<smem>>, %arg3: memref<33xi32, #tpu.memory_space<smem>>) -> (i32, i32) {
    %add3A = arith.constant 1 : i32
    %add3A_0 = arith.addi %arg0, %add3A : i32
    %c0_i32 = arith.constant 0 : i32
    %c0_i32_1 = arith.constant 0 : i32
    return %add3A_0, %c0_i32 : i32, i32
  }
  func.func @transform_6(%arg0: i32, %arg1: memref<33xi32, #tpu.memory_space<smem>>, %arg2: memref<33xi32, #tpu.memory_space<smem>>, %arg3: memref<33xi32, #tpu.memory_space<smem>>) -> (i32, i32) {
    %c0_i32 = arith.constant 0 : i32
    %c0_i32_0 = arith.constant 0 : i32
    return %arg0, %c0_i32 : i32, i32
  }
  func.func @transform_7(%arg0: i32, %arg1: memref<33xi32, #tpu.memory_space<smem>>, %arg2: memref<33xi32, #tpu.memory_space<smem>>, %arg3: memref<33xi32, #tpu.memory_space<smem>>) -> (i32, i32) {
    %add3A = arith.constant 1 : i32
    %add3A_0 = arith.addi %arg0, %add3A : i32
    %c0_i32 = arith.constant 0 : i32
    %c0_i32_1 = arith.constant 0 : i32
    return %add3A_0, %c0_i32 : i32, i32
  }
  func.func @transform_8(%arg0: i32, %arg1: memref<33xi32, #tpu.memory_space<smem>>, %arg2: memref<33xi32, #tpu.memory_space<smem>>, %arg3: memref<33xi32, #tpu.memory_space<smem>>) -> (i32, i32) {
    %c0_i32 = arith.constant 0 : i32
    %c0_i32_0 = arith.constant 0 : i32
    %c0_i32_1 = arith.constant 0 : i32
    return %c0_i32, %c0_i32_0 : i32, i32
  }
  func.func @transform_9(%arg0: i32, %arg1: memref<33xi32, #tpu.memory_space<smem>>, %arg2: memref<33xi32, #tpu.memory_space<smem>>, %arg3: memref<33xi32, #tpu.memory_space<smem>>) -> (i32, i32) {
    %c0_i32 = arith.constant 0 : i32
    %c0_i32_0 = arith.constant 0 : i32
    %c0_i32_1 = arith.constant 0 : i32
    return %c0_i32, %c0_i32_0 : i32, i32
  }
  func.func @transform_10(%arg0: i32, %arg1: memref<33xi32, #tpu.memory_space<smem>>, %arg2: memref<33xi32, #tpu.memory_space<smem>>, %arg3: memref<33xi32, #tpu.memory_space<smem>>) -> (i32, i32) {
    %c0_i32 = arith.constant 0 : i32
    %c0_i32_0 = arith.constant 0 : i32
    %c0_i32_1 = arith.constant 0 : i32
    return %c0_i32, %c0_i32_0 : i32, i32
  }
  func.func @transform_11(%arg0: i32, %arg1: memref<33xi32, #tpu.memory_space<smem>>, %arg2: memref<33xi32, #tpu.memory_space<smem>>, %arg3: memref<33xi32, #tpu.memory_space<smem>>) -> (i32, i32) {
    %c0_i32 = arith.constant 0 : i32
    %c0_i32_0 = arith.constant 0 : i32
    %c0_i32_1 = arith.constant 0 : i32
    return %c0_i32, %c0_i32_0 : i32, i32
  }
  func.func @transform_12(%arg0: i32, %arg1: memref<33xi32, #tpu.memory_space<smem>>, %arg2: memref<33xi32, #tpu.memory_space<smem>>, %arg3: memref<33xi32, #tpu.memory_space<smem>>) -> (i32, i32) {
    %get3A = arith.index_cast %arg0 : i32 to index
    %get3A_0 = memref.load %arg1[%get3A] : memref<33xi32, #tpu.memory_space<smem>>
    %c0_i32 = arith.constant 0 : i32
    %c0_i32_1 = arith.constant 0 : i32
    return %get3A_0, %c0_i32 : i32, i32
  }
  func.func @transform_13(%arg0: i32, %arg1: memref<33xi32, #tpu.memory_space<smem>>, %arg2: memref<33xi32, #tpu.memory_space<smem>>, %arg3: memref<33xi32, #tpu.memory_space<smem>>) -> (i32, i32) {
    %get3A = arith.index_cast %arg0 : i32 to index
    %get3A_0 = memref.load %arg1[%get3A] : memref<33xi32, #tpu.memory_space<smem>>
    %add3A = arith.constant 1 : i32
    %add3A_1 = arith.addi %get3A_0, %add3A : i32
    %min3A = arith.constant 31 : i32
    %min3A_2 = arith.minsi %add3A_1, %min3A : i32
    %c0_i32 = arith.constant 0 : i32
    %c0_i32_3 = arith.constant 0 : i32
    return %min3A_2, %c0_i32 : i32, i32
  }
}

module attributes {stable_mosaic.version = 14 : i64} {
  func.func @_stage3_kernel(%arg0: i32, %arg1: memref<2048x256xf32, #tpu.memory_space<vmem>>, %arg2: memref<2048x256xf32, #tpu.memory_space<vmem>>, %arg3: memref<2048x256xf32, #tpu.memory_space<vmem>>, %arg4: memref<256x256xf32, #tpu.memory_space<vmem>>, %arg5: memref<256x256xf32, #tpu.memory_space<vmem>>, %arg6: memref<1x256xf32, #tpu.memory_space<vmem>>, %arg7: memref<256x512xf32, #tpu.memory_space<vmem>>, %arg8: memref<1x512xf32, #tpu.memory_space<vmem>>, %arg9: memref<512x512xf32, #tpu.memory_space<vmem>>, %arg10: memref<1x512xf32, #tpu.memory_space<vmem>>, %arg11: memref<8x512xf32, #tpu.memory_space<vmem>>) attributes {dimension_semantics = [#tpu.dimension_semantics<arbitrary>], iteration_bounds = array<i64: 4>, scalar_prefetch = 0 : i64, scratch_operands = 0 : i64, tpu.core_type = #tpu.core_type<tc>, window_params = [{transform_indices = @transform_0, window_bounds = array<i64: 2048, 256>}, {transform_indices = @transform_1, window_bounds = array<i64: 2048, 256>}, {transform_indices = @transform_2, window_bounds = array<i64: 2048, 256>}, {pipeline_mode = #tpu.pipeline_mode<synchronous>, transform_indices = @transform_3, window_bounds = array<i64: 256, 256>}, {pipeline_mode = #tpu.pipeline_mode<synchronous>, transform_indices = @transform_4, window_bounds = array<i64: 256, 256>}, {pipeline_mode = #tpu.pipeline_mode<synchronous>, transform_indices = @transform_5, window_bounds = array<i64: 1, 256>}, {pipeline_mode = #tpu.pipeline_mode<synchronous>, transform_indices = @transform_6, window_bounds = array<i64: 256, 512>}, {pipeline_mode = #tpu.pipeline_mode<synchronous>, transform_indices = @transform_7, window_bounds = array<i64: 1, 512>}, {pipeline_mode = #tpu.pipeline_mode<synchronous>, transform_indices = @transform_8, window_bounds = array<i64: 512, 512>}, {pipeline_mode = #tpu.pipeline_mode<synchronous>, transform_indices = @transform_9, window_bounds = array<i64: 1, 512>}, {transform_indices = @transform_10, window_bounds = array<i64: 8, 512>}]} {
    %iota3A = tpu.iota {dimensions = array<i32: 0>} : vector<2048x1xi32>
    %get3A = arith.constant 0 : index
    %get3A_0 = arith.constant 0 : index
    %get3A_1 = vector.load %arg1[%get3A, %get3A_0] : memref<2048x256xf32, #tpu.memory_space<vmem>>, vector<2048x256xf32>
    %eq3A = arith.constant 0 : i32
    %eq3A_2 = arith.cmpi eq, %arg0, %eq3A : i32
    %lt3A = arith.constant 256 : i32
    %lt3A_3 = vector.broadcast %lt3A : i32 to vector<2048x1xi32>
    %lt3A_4 = arith.cmpi slt, %iota3A, %lt3A_3 : vector<2048x1xi32>
    %and3A = vector.broadcast %eq3A_2 : i1 to vector<2048x1xi1>
    %and3A_5 = arith.andi %and3A, %lt3A_4 : vector<2048x1xi1>
    %get3A_6 = arith.constant 0 : index
    %get3A_7 = arith.constant 0 : index
    %get3A_8 = vector.load %arg2[%get3A_6, %get3A_7] : memref<2048x256xf32, #tpu.memory_space<vmem>>, vector<2048x256xf32>
    %max3A = arith.maximumf %get3A_1, %get3A_8 : vector<2048x256xf32>
    %broadcast_in_dim3A = vector.shape_cast %and3A_5 : vector<2048x1xi1> to vector<2048x1xi1>
    %broadcast_in_dim3A_9 = vector.broadcast %broadcast_in_dim3A : vector<2048x1xi1> to vector<2048x256xi1>
    %select_n3A = arith.select %broadcast_in_dim3A_9, %get3A_1, %max3A : vector<2048x256xi1>, vector<2048x256xf32>
    %get3A_10 = arith.constant 0 : index
    %get3A_11 = arith.constant 0 : index
    %get3A_12 = vector.load %arg4[%get3A_10, %get3A_11] : memref<256x256xf32, #tpu.memory_space<vmem>>, vector<256x256xf32>
    %dot_general3A = arith.constant dense<0.000000e+00> : vector<2048x256xf32>
    %dot_general3A_13 = tpu.matmul %select_n3A, %get3A_12, %dot_general3A {dimension_numbers = #tpu.dot_dimension_numbers<[1], [0], [0], [1], [0, 0, 1, 1], [], []>, transpose_lhs_hint = false} : vector<2048x256xf32>, vector<256x256xf32>, vector<2048x256xf32> -> vector<2048x256xf32>
    %get3A_14 = arith.constant 0 : index
    %get3A_15 = arith.constant 0 : index
    %get3A_16 = vector.load %arg3[%get3A_14, %get3A_15] : memref<2048x256xf32, #tpu.memory_space<vmem>>, vector<2048x256xf32>
    %get3A_17 = arith.constant 0 : index
    %get3A_18 = arith.constant 0 : index
    %get3A_19 = vector.load %arg5[%get3A_17, %get3A_18] : memref<256x256xf32, #tpu.memory_space<vmem>>, vector<256x256xf32>
    %dot_general3A_20 = arith.constant dense<0.000000e+00> : vector<2048x256xf32>
    %dot_general3A_21 = tpu.matmul %get3A_16, %get3A_19, %dot_general3A_20 {dimension_numbers = #tpu.dot_dimension_numbers<[1], [0], [0], [1], [0, 0, 1, 1], [], []>, transpose_lhs_hint = false} : vector<2048x256xf32>, vector<256x256xf32>, vector<2048x256xf32> -> vector<2048x256xf32>
    %add3A = arith.addf %dot_general3A_13, %dot_general3A_21 : vector<2048x256xf32>
    %get3A_22 = arith.constant 0 : index
    %get3A_23 = arith.constant 0 : index
    %get3A_24 = vector.load %arg6[%get3A_22, %get3A_23] : memref<1x256xf32, #tpu.memory_space<vmem>>, vector<1x256xf32>
    %add3A_25 = vector.broadcast %get3A_24 : vector<1x256xf32> to vector<2048x256xf32>
    %add3A_26 = arith.addf %add3A, %add3A_25 : vector<2048x256xf32>
    %max3A_27 = arith.constant 0.000000e+00 : f32
    %max3A_28 = vector.broadcast %max3A_27 : f32 to vector<2048x256xf32>
    %max3A_29 = arith.maximumf %add3A_26, %max3A_28 : vector<2048x256xf32>
    %get3A_30 = arith.constant 0 : index
    %get3A_31 = arith.constant 0 : index
    %get3A_32 = vector.load %arg7[%get3A_30, %get3A_31] : memref<256x512xf32, #tpu.memory_space<vmem>>, vector<256x512xf32>
    %dot_general3A_33 = arith.constant dense<0.000000e+00> : vector<2048x512xf32>
    %dot_general3A_34 = tpu.matmul %max3A_29, %get3A_32, %dot_general3A_33 {dimension_numbers = #tpu.dot_dimension_numbers<[1], [0], [0], [1], [0, 0, 1, 1], [], []>, transpose_lhs_hint = false} : vector<2048x256xf32>, vector<256x512xf32>, vector<2048x512xf32> -> vector<2048x512xf32>
    %get3A_35 = arith.constant 0 : index
    %get3A_36 = arith.constant 0 : index
    %get3A_37 = vector.load %arg8[%get3A_35, %get3A_36] : memref<1x512xf32, #tpu.memory_space<vmem>>, vector<1x512xf32>
    %add3A_38 = vector.broadcast %get3A_37 : vector<1x512xf32> to vector<2048x512xf32>
    %add3A_39 = arith.addf %dot_general3A_34, %add3A_38 : vector<2048x512xf32>
    %max3A_40 = arith.constant 0.000000e+00 : f32
    %max3A_41 = vector.broadcast %max3A_40 : f32 to vector<2048x512xf32>
    %max3A_42 = arith.maximumf %add3A_39, %max3A_41 : vector<2048x512xf32>
    %get3A_43 = arith.constant 0 : index
    %get3A_44 = arith.constant 0 : index
    %get3A_45 = vector.load %arg9[%get3A_43, %get3A_44] : memref<512x512xf32, #tpu.memory_space<vmem>>, vector<512x512xf32>
    %dot_general3A_46 = arith.constant dense<0.000000e+00> : vector<2048x512xf32>
    %dot_general3A_47 = tpu.matmul %max3A_42, %get3A_45, %dot_general3A_46 {dimension_numbers = #tpu.dot_dimension_numbers<[1], [0], [0], [1], [0, 0, 1, 1], [], []>, transpose_lhs_hint = false} : vector<2048x512xf32>, vector<512x512xf32>, vector<2048x512xf32> -> vector<2048x512xf32>
    %get3A_48 = arith.constant 0 : index
    %get3A_49 = arith.constant 0 : index
    %get3A_50 = vector.load %arg10[%get3A_48, %get3A_49] : memref<1x512xf32, #tpu.memory_space<vmem>>, vector<1x512xf32>
    %add3A_51 = vector.broadcast %get3A_50 : vector<1x512xf32> to vector<2048x512xf32>
    %add3A_52 = arith.addf %dot_general3A_47, %add3A_51 : vector<2048x512xf32>
    %max3A_53 = arith.constant 0.000000e+00 : f32
    %max3A_54 = vector.broadcast %max3A_53 : f32 to vector<2048x512xf32>
    %max3A_55 = arith.maximumf %add3A_52, %max3A_54 : vector<2048x512xf32>
    %reshape3A = vector.shape_cast %max3A_55 : vector<2048x512xf32> to vector<8x256x512xf32>
    %reduce_max3A = arith.constant dense<0xFF800000> : vector<8x512xf32>
    %reduce_max3A_56 = vector.multi_reduction <maximumf>, %reshape3A, %reduce_max3A [1] : vector<8x256x512xf32> to vector<8x512xf32>
    %swap3A = arith.constant 0 : index
    %swap3A_57 = arith.constant 0 : index
    %swap3A_58 = vector.load %arg11[%swap3A, %swap3A_57] : memref<8x512xf32, #tpu.memory_space<vmem>>, vector<8x512xf32>
    tpu.vector_store %arg11[%swap3A, %swap3A_57], %reduce_max3A_56 {strides = array<i32>} : memref<8x512xf32, #tpu.memory_space<vmem>>, vector<8x512xf32>,
    return
  }
  func.func @transform_0(%arg0: i32) -> (i32, i32) {
    %c0_i32 = arith.constant 0 : i32
    %c0_i32_0 = arith.constant 0 : i32
    return %arg0, %c0_i32 : i32, i32
  }
  func.func @transform_1(%arg0: i32) -> (i32, i32) {
    %c0_i32 = arith.constant 0 : i32
    %c0_i32_0 = arith.constant 0 : i32
    return %arg0, %c0_i32 : i32, i32
  }
  func.func @transform_2(%arg0: i32) -> (i32, i32) {
    %c0_i32 = arith.constant 0 : i32
    %c0_i32_0 = arith.constant 0 : i32
    return %arg0, %c0_i32 : i32, i32
  }
  func.func @transform_3(%arg0: i32) -> (i32, i32) {
    %c0_i32 = arith.constant 0 : i32
    %c0_i32_0 = arith.constant 0 : i32
    %c0_i32_1 = arith.constant 0 : i32
    return %c0_i32, %c0_i32_0 : i32, i32
  }
  func.func @transform_4(%arg0: i32) -> (i32, i32) {
    %c0_i32 = arith.constant 0 : i32
    %c0_i32_0 = arith.constant 0 : i32
    %c0_i32_1 = arith.constant 0 : i32
    return %c0_i32, %c0_i32_0 : i32, i32
  }
  func.func @transform_5(%arg0: i32) -> (i32, i32) {
    %c0_i32 = arith.constant 0 : i32
    %c0_i32_0 = arith.constant 0 : i32
    %c0_i32_1 = arith.constant 0 : i32
    return %c0_i32, %c0_i32_0 : i32, i32
  }
  func.func @transform_6(%arg0: i32) -> (i32, i32) {
    %c0_i32 = arith.constant 0 : i32
    %c0_i32_0 = arith.constant 0 : i32
    %c0_i32_1 = arith.constant 0 : i32
    return %c0_i32, %c0_i32_0 : i32, i32
  }
  func.func @transform_7(%arg0: i32) -> (i32, i32) {
    %c0_i32 = arith.constant 0 : i32
    %c0_i32_0 = arith.constant 0 : i32
    %c0_i32_1 = arith.constant 0 : i32
    return %c0_i32, %c0_i32_0 : i32, i32
  }
  func.func @transform_8(%arg0: i32) -> (i32, i32) {
    %c0_i32 = arith.constant 0 : i32
    %c0_i32_0 = arith.constant 0 : i32
    %c0_i32_1 = arith.constant 0 : i32
    return %c0_i32, %c0_i32_0 : i32, i32
  }
  func.func @transform_9(%arg0: i32) -> (i32, i32) {
    %c0_i32 = arith.constant 0 : i32
    %c0_i32_0 = arith.constant 0 : i32
    %c0_i32_1 = arith.constant 0 : i32
    return %c0_i32, %c0_i32_0 : i32, i32
  }
  func.func @transform_10(%arg0: i32) -> (i32, i32) {
    %c0_i32 = arith.constant 0 : i32
    %c0_i32_0 = arith.constant 0 : i32
    return %arg0, %c0_i32 : i32, i32
  }
}

</mosaic_0001>

<sc_bundles>
// kernel: kernel.8.cloned.1.call-start
scs
__scs_entry_jumppad:
0x0: {  	(pc) =	sbr.rel $0x88, $3  }
0x1: {  	(tag) =	ssettag $0x0;
	lr =	simm.s32 $0x1  }
0x2: {  	[smem:$0x3F88] =	sst lr;
	_ =	strace $0xD0000000  }
0x3: {  	_ = 	snop  }
0x4: {  	_ = 	snop  }
0x5: {  	_ = 	snop  }
0x6: {  	_ = 	snop  }
0x7: {  	_ = 	snop  }
__scs_overlays_trampoline_lowered:
0x8: {  	[smem:$0x3F97] =	sst s0  }
0x9: {  	[smem:$0x3F98] =	sst s1  }
0xa: {  	[smem:$0x3F99] =	sst s2  }
0xb: {  	[smem:$0x3F9A] =	sst s3  }
0xc: {  	[smem:$0x3F9B] =	sst s4  }
0xd: {  	[smem:$0x3F9C] =	sst s5  }
0xe: {  	[smem:$0x3F9D] =	sst s6  }
0xf: {  	[smem:$0x3F9E] =	sst s7  }
0x10: {  	[smem:$0x3F9F] =	sst s8  }
0x11: {  	[smem:$0x3FA0] =	sst s9;
	s0 =	simm.s32 @!p0 $0x0  }
0x12: {  	s1 =	sld [smem:$0x3F86];
	s0 =	simm.s32 @p0 $0x1  }
0x13: {  	[smem:$0x3FA1] =	sst s0;
	s0 =	simm.s32 @!p1 $0x0  }
0x14: {  	s2 =	sld [smem:$0x3F85];
	s0 =	simm.s32 @p1 $0x1  }
0x15: {  	[smem:$0x3FA2] =	sst s0;
	s0 =	simm.s32 @!p2 $0x0  }
0x16: {  	s3 =	sld [smem:$0x3FDB];
	s0 =	simm.s32 @p2 $0x1  }
0x17: {  	s4 =	simm.s32 $0x1BF5;
	[smem:$0x3FA4] =	sst s0  }
0x18: {  	s0 =	sld [smem:$0x3F87];
	_ =	swait.ge [sflag:s4], $0x0  }
0x19: {  	s7 =	sld [smem:$0x3F88]  }
0x1a: {  	s8 =	sadd.s32 $0xFFFFE003, lr  }
0x1b: {  	s9 =	sadd.s32 $0xFFFFFEF7, lr;
	s5 =	simm.s32 $0xFFFFFFFF;
	p2 =	slt.u32 s8, $0xFFFFF086  }
0x1c: {  	p1 =	slt.u32 s9, $0xF7A;
	s5 =	simm.s32 @!p2 $0x0  }
0x1d: {  	s5 =	simm.s32 @p1 $0x1;
	p0 =	seq.s32 s7, s2  }
0x1e: {  	s7 =	smul.u32 @!p0 $0xF7A, s2;
	p2 =	seq.s32 @!p0 s5, $0x0  }
0x1f: {  	s9 =	smul.u32 $0xF7A, s1;
	s8 =	simm.s32 @!p0 $0x1BF5;
	p2 =	por !p2, p0  }
0x20: {  	[sflag:s8] =	ssyncset.s32 @!p0 $0xFFFFF086;
	s6 =	sadd.s32 @!p0 s3, s7;
	s7 =	simm.s32 @!p0 $0x108  }
0x21: {  	s3 =	sadd.s32 s3, s9;
	s6 =	sadd.s32 @!p0 $0x88, s6;
	s7 =	simm.s32 @p2 $0x1082  }
0x22: {  	[simem:s7], [sflag:s8] =	dma.local @!p0 [hbm:s6], $0xF7A  }
0x23: {  	s9 =	sor.u32 $0xD0000000, s2;
	s6 =	simm.s32 $0x108;
	_ =	swait.ge @!p0 [sflag:s8], $0x0  }
0x24: {  	s3 =	sadd.s32 $0x88, s3;
	s6 =	simm.s32 @!p1 $0x1082;
	[sflag:s4] =	ssyncset.s32 $0xFFFFF086  }
0x25: {  	[simem:s6], [sflag:s4] =	dma.local [hbm:s3], $0xF7A  }
0x26: {  	[smem:$0x3F88] =	sst s1;
	(tag) =	ssettag s2;
	_ =	strace s9  }
0x27: {  	s1 =	sld [smem:$0x3F98]  }
0x28: {  	s2 =	sld [smem:$0x3F99]  }
0x29: {  	s4 =	sld [smem:$0x3F9B]  }
0x2a: {  	p0 =	seq.s32 s5, $0x0;
	s5 =	sld [smem:$0x3F9C]  }
0x2b: {  	s6 =	sld [smem:$0x3F9D]  }
0x2c: {  	s7 =	sld [smem:$0x3F9E]  }
0x2d: {  	s3 =	simm.s32 $0x108;
	s8 =	sld [smem:$0x3F9F]  }
0x2e: {  	s3 =	simm.s32 @!p0 $0x1082;
	s9 =	sld [smem:$0x3FA0]  }
0x2f: {  	lr =	sadd.s32 s0, s3;
	s0 =	sld [smem:$0x3F97]  }
0x30: {  	s3 =	sld [smem:$0x3F9A]  }
0x31: {  	[smem:$0x3FA3] =	sst s10  }
0x32: {  	s10 =	sld [smem:$0x3FA1];
	_ =	sdelay $0x3  }
0x33: {  	p0 =	seq.s32 s10, $0x1;
	s10 =	sld [smem:$0x3FA3];
	_ =	sdelay $0x3  }
0x34: {  	[smem:$0x3FA3] =	sst s10  }
0x35: {  	s10 =	sld [smem:$0x3FA2];
	_ =	sdelay $0x3  }
0x36: {  	p1 =	seq.s32 s10, $0x1;
	s10 =	sld [smem:$0x3FA3];
	_ =	sdelay $0x3  }
0x37: {  	[smem:$0x3FA3] =	sst s10  }
0x38: {  	s10 =	sld [smem:$0x3FA4]  }
0x39: {  	_ = 	snop;
	(pc) =	sbr.ind lr, $3  }
0x3a: {  	_ = 	snop  }
0x3b: {  	_ = 	snop  }
0x3c: {  	p2 =	seq.s32 s10, $0x1;
	s10 =	sld [smem:$0x3FA3]  }
0x3d: {  	_ =	shalt  }
0x3e: {  	_ =	shalt  }
0x3f: {  	_ =	shalt  }
0x40: {  	_ =	shalt  }
0x41: {  	_ =	shalt  }
0x42: {  	_ =	shalt  }
0x43: {  	_ =	shalt  }
0x44: {  	_ =	shalt  }
0x45: {  	_ =	shalt  }
0x46: {  	_ =	shalt  }
0x47: {  	_ =	shalt  }
0x48: {  	_ =	shalt  }
0x49: {  	_ =	shalt  }
0x4a: {  	_ =	shalt  }
0x4b: {  	_ =	shalt  }
0x4c: {  	_ =	shalt  }
0x4d: {  	_ =	shalt  }
0x4e: {  	_ =	shalt  }
0x4f: {  	_ =	shalt  }
0x50: {  	_ =	shalt  }
0x51: {  	_ =	shalt  }
0x52: {  	_ =	shalt  }
0x53: {  	_ =	shalt  }
0x54: {  	_ =	shalt  }
0x55: {  	_ =	shalt  }
0x56: {  	_ =	shalt  }
0x57: {  	_ =	shalt  }
0x58: {  	_ =	shalt  }
0x59: {  	_ =	shalt  }
0x5a: {  	_ =	shalt  }
0x5b: {  	_ =	shalt  }
0x5c: {  	_ =	shalt  }
0x5d: {  	_ =	shalt  }
0x5e: {  	_ =	shalt  }
0x5f: {  	_ =	shalt  }
0x60: {  	_ =	shalt  }
0x61: {  	_ =	shalt  }
0x62: {  	_ =	shalt  }
0x63: {  	_ =	shalt  }
0x64: {  	_ =	shalt  }
0x65: {  	_ =	shalt  }
0x66: {  	_ =	shalt  }
0x67: {  	_ =	shalt  }
0x68: {  	_ =	shalt  }
0x69: {  	_ =	shalt  }
0x6a: {  	_ =	shalt  }
0x6b: {  	_ =	shalt  }
0x6c: {  	_ =	shalt  }
0x6d: {  	_ =	shalt  }
0x6e: {  	_ =	shalt  }
0x6f: {  	_ =	shalt  }
0x70: {  	_ =	shalt  }
0x71: {  	_ =	shalt  }
0x72: {  	_ =	shalt  }
0x73: {  	_ =	shalt  }
0x74: {  	_ =	shalt  }
0x75: {  	_ =	shalt  }
0x76: {  	_ =	shalt  }
0x77: {  	_ =	shalt  }
0x78: {  	_ =	shalt  }
0x79: {  	_ =	shalt  }
0x7a: {  	_ =	shalt  }
0x7b: {  	_ =	shalt  }
0x7c: {  	_ =	shalt  }
0x7d: {  	_ =	shalt  }
0x7e: {  	_ =	shalt  }
0x7f: {  	_ =	shalt  }
0x80: {  	_ =	shalt  }
0x81: {  	_ =	shalt  }
0x82: {  	_ =	shalt  }
0x83: {  	_ =	shalt  }
0x84: {  	_ =	shalt  }
0x85: {  	_ =	shalt  }
0x86: {  	_ =	shalt  }
0x87: {  	_ =	shalt  }
.Lfunc_end0:
.L_simem_size_0:
called_computation_lowered:
.L_overlay_start_0:
0x88: {  	s2 =	sld [smem:$0x3FD9]  }
0x89: {  	s3 =	sld [smem:$0x3FFE];
	_ =	sdelay $0x1  }
0x8a: {  	s1 =	srdreg.scid  }
0x8b: {  	s0 =	sand.u32 $0x1, s1  }
0x8c: {  	s16 =	sshll.u32 s0, $0xA;
	s2 =	sadd.s32 s3, s2  }
0x8d: {  	s2 =	sadd.s32 s2, s16  }
0x8e: {  	[smem:$0x3FAF] =	sst s2  }
0x8f: {  	_ = 	snop  }
0x90: {  	(tm) =	ssettm $0x1  }
0x91: {  	s17 =	sld [smem:$0x3FFB];
	_ =	sdelay $0x3  }
0x92: {  	_ =	strace s17  }
0x93: {  	s2 =	sld [smem:$0x3FFC];
	_ =	sdelay $0x3  }
0x94: {  	_ =	strace s2  }
0x95: {  	s2 =	sld [smem:$0x3FFD];
	_ =	sdelay $0x3  }
0x96: {  	_ =	strace s2  }
0x97: {  	_ =	strace $0x8FFFFFFF  }
0x98: {  	s18 =	sld [smem:$0x3FDB];
	_ =	sdelay $0x1  }
0x99: {  	s19 =	simm.s32 $_scs_section_size  }
0x9a: {  	s4 =	simm.s32 $_size__tile_overlayer_lowered;
	s5 =	simm.s32 $_tile_overlayer_lowered  }
0x9b: {  	s22 =	simm.s32 $0x1BFF;
	s21 =	sshll.u32 s5, $0x1;
	s2 =	sadd.s32 s19, s18  }
0x9c: {  	s6 =	simm.s32 $0x0;
	s20 =	sshll.u32 s4, $0x1;
	s4 =	sadd.s32 s21, s2  }
0x9d: {  	[timem:s6], [sflag:s22] =	dma.local [hbm:s4], s20  }
0x9e: {  	_ =	swait.ge [sflag:s22], s20  }
0x9f: {  	s3 =	ssub.s32 $0x0, s20;
	[sflag:s22] =	ssyncset.done $0x0  }
0xa0: {  	[sflag:s22] =	ssyncadd.s32 s3;
	_ =	sdelay $0x1  }
0xa1: {  	s23 =	simm.s32 $0x1B8B  }
0xa2: {  	_ =	swait.ge [sflag:s23], $0x1  }
0xa3: {  	[sflag:s23] =	ssyncset.done $0x0  }
0xa4: {  	s25 =	simm.s32 $0x1B8E;
	s24 =	sld [smem:$0x3FFE];
	[sflag:s23] =	ssyncadd.s32 $0xFFFFFFFF  }
0xa5: {  	s26 =	simm.s32 $execute0_lowered;
	[smem:$0x3FD2] =	sst s25  }
0xa6: {  	s4 =	sshll.u32 s26, $0x1;
	_ =	strace $0x80000046;
	[dreg:$0x1] =	wrdreg $0xFFFFFFFF  }
0xa7: {  	s28 =	simm.s32 $_size_execute0_lowered;
	s2 =	sadd.s32 s2, s4;
	[dreg:$0x0] =	wrdreg $0x0  }
0xa8: {  	s4 =	sshll.u32 s28, $0x1;
	[dreg:$0x2] =	wrdreg s2  }
0xa9: {  	[dreg:$0x3] =	wrdreg s4  }
0xaa: {  	[dreg:$0x4] =	wrdreg $0xC0  }
0xab: {  	_ =	task [dreg:s6], $0x5FFFF  }
0xac: {  	[dreg:$0x1] =	wrdreg $0xFFFFFFFF  }
0xad: {  	[dreg:$0x0] =	wrdreg $0x60  }
0xae: {  	[dreg:$0x2] =	wrdreg s24  }
0xaf: {  	[dreg:$0x3] =	wrdreg $0x9  }
0xb0: {  	_ =	task.clear_ibuf [dreg:s6], $0x4FFFF;
	_ =	strace $0x90000046  }
0xb1: {  	s29 =	simm.s32 $0x9;
	_ =	strace $0x80000048  }
0xb2: {  	_ =	swait.ge [sflag:s29], $0x1  }
0xb3: {  	[sflag:s29] =	ssyncadd.s32 $0xFFFFFFFF  }
0xb4: {  	_ =	strace $0x90000048  }
0xb5: {  	_ =	sfence  }
0xb6: {  	s30 =	sld [smem:$0x0];
	_ =	sdelay $0x2  }
0xb7: {  	s31 =	sshll.u32 s1, $0xD;
	s1 =	sshrl.u32 s1, $0x2  }
0xb8: {  	s3 =	sand.u32 $0x4000, s31;
	s1 =	sadd.s32 s1, s30  }
0xb9: {  	s0 =	sor.u32 s3, s0;
	s1 =	sshll.u32 s1, $0x11  }
0xba: {  	s0 =	sor.u32 s1, s0  }
0xbb: {  	s0 =	sadd.s32 $0x8F2B, s0  }
0xbc: {  	[sflag:s0] =	ssyncadd.remote.s32 $0x1  }
0xbd: {  	_ =	sfence.sel $0xFFFF  }
0xbe: {  	[dreg:$0x0] =	wrdreg $0xFFFFFFFF;
	(pc) =	sbr.abs _section_cstart, $3  }
0xbf: {  	[dreg:$0x1] =	wrdreg $0xFFFFFFFF  }
0xc0: {  	_ =	task.clear_ibuf [dreg:s6], $0x2FFFF;
	_ =	strace $0x9FFFFFFF  }
0xc1: {  	(tm) =	ssettm $0x7FFFFFFF  }
tec
execute0_lowered:
.L_overlay_start_1:
0x0: {  	(tag) =	ssettag $0x1  }
0x1: {  	s0 =	srdreg.scid  }
0x2: {  	s1 =	stileid.u32;
	s4 =	rddreg [dreg:$0x0];
	s2 =	simm.s32 $0x0  }
0x3: {  	s30 =	simm.s32 $0x9;
	s29 =	simm.s32 $0x380;
	s9 =	simm.s32 $0x700  }
0x4: {  	s31 =	simm.s32 $0x400;
	s0 =	sand.u32 $0x1, s0;
	s1 =	sshll.u32 s1, $0x1  }
0x5: {  	s28 =	simm.s32 $0x500;
	p0 =	por $0x0, $0x0;
	s1 =	sor.u32 s0, s1  }
0x6: {  	[smem:$0x7FF] =	sst s2;
	s6 =	sadd.s32 $0xC7C00, s4;
	s3 =	smul.u32 $0x70, s1  }
0x7: {  	s7 =	sadd.s32 $0x137C00, s4;
	s0 =	ssub.s32 $0x2, s0;
	s5 =	smul.u32 $0x1C000, s1  }
0x8: {  	_ =	strace $0x80000047;
	s1 =	smul.u32 $0x3800, s1;
	s25 =	sshrl.u32 s0, $0x1  }
0x9: {  	s0 =	ssub.s32 s0, s25;
	s25 =	simm.s32 $0x480;
	s3 =	sadd.s32 s3, s4  }
0xa: {  	s5 =	sshrl.u32 s5, $0x3;
	s12 =	sadd.s32 s6, s1;
	s13 =	sadd.s32 s7, s1  }
0xb: {  	s14 =	sadd.s32 $0x800, s1;
	s17 =	sadd.s32 $0x1000, s1;
	s19 =	sadd.s32 $0x1800, s1  }
0xc: {  	s22 =	sadd.s32 $0x2000, s1;
	s1 =	sadd.s32 $0x2800, s1;
	[dreg:$0x6] =	wrdreg s12  }
0xd: {  	s0 =	smax.u32 s0, $0x1;
	s8 =	sadd.s32 $0x6E00, s3;
	[dreg:$0x7] =	wrdreg s13  }
0xe: {  	s3 =	sadd.s32 $0x6000, s3;
	s5 =	sadd.s32 $0x3000, s5;
	[dreg:$0x2] =	wrdreg s8  }
0xf: {  	s15 =	sadd.s32 s6, s14;
	s16 =	sadd.s32 s7, s14;
	[dreg:$0x3] =	wrdreg s3  }
0x10: {  	s18 =	sadd.s32 s6, s17;
	s20 =	sadd.s32 s6, s19;
	[dreg:$0x8] =	wrdreg s15  }
0x11: {  	s21 =	sadd.s32 s7, s19;
	s23 =	sadd.s32 s6, s22;
	[dreg:$0x9] =	wrdreg s16  }
0x12: {  	s24 =	sadd.s32 s7, s22;
	s26 =	sadd.s32 s6, s1;
	[dreg:$0xa] =	wrdreg s18  }
0x13: {  	s1 =	sadd.s32 s7, s1;
	s12 =	simm.s32 $0x80;
	[dreg:$0xc] =	wrdreg s20  }
0x14: {  	s14 =	simm.s32 $0xC700;
	s13 =	simm.s32 $0x1;
	[dreg:$0xd] =	wrdreg s21  }
0x15: {  	p1 =	sne.s32 s0, $0x1;
	s22 =	simm.s32 $0x280;
	[dreg:$0xe] =	wrdreg s23  }
0x16: {  	s19 =	simm.s32 $0x680;
	s10 =	sadd.s32 s6, s5;
	[dreg:$0xf] =	wrdreg s24  }
0x17: {  	s11 =	sadd.s32 s7, s5;
	s5 =	sadd.s32 s7, s17;
	[dreg:$0x10] =	wrdreg s26  }
0x18: {  	s3 =	sadd.s32 $0x206000, s4;
	s7 =	sadd.s32 $0x87C00, s4;
	[dreg:$0x11] =	wrdreg s1  }
0x19: {  	s15 =	simm.s32 $0x8700;
	s17 =	simm.s32 $0x3;
	s16 =	simm.s32 $0x4  }
0x1a: {  	s8 =	simm.s32 $0x6;
	s6 =	simm.s32 $0x7;
	s4 =	simm.s32 $0x8  }
.Ltmp0:
0x1b: {  	s24 =	simm.s32 $0x100;
	s26 =	simm.s32 $0x180;
	(pc) =	sbr.rel @!p1 .LBB2_3-.Ltmp0, $4  }
0x1c: {  	s1 =	sadd.s32 $0xFFFFFFFF, s0;
	s20 =	simm.s32 $0x200;
	[dreg:$0x4] =	wrdreg s10  }
0x1d: {  	s21 =	simm.s32 $0x580;
	s23 =	simm.s32 $0x600;
	[dreg:$0x5] =	wrdreg s11  }
0x1e: {  	s18 =	simm.s32 $0x300;
	[dreg:$0xb] =	wrdreg s5;
	s5 =	simm.s32 $0x4700  }
0x1f: {  	s11 =	simm.s32 $0x2;
	s10 =	simm.s32 $0x5;
	s0 =	rddreg [dreg:$0x2]  }
0x20: {  	[tilespmem:s2], [sflag:$0x9] =	stream.linear.gather [hbm4b:s0+s2], $0x380, $0x38;
	[tilespmem:$0x10700] =	vst v63  }
0x21: {  	_ =	swait.ge [sflag:s30], $0x380  }
0x22: {  	[sflag:s30] =	ssyncset.done $0x0  }
0x23: {  	s0 =	rddreg [dreg:$0x3];
	[sflag:s30] =	ssyncadd.s32 $0xFFFFFC80  }
0x24: {  	[tilespmem:s29], [sflag:$0x9] =	stream.linear.gather [hbm4b:s0+s2], $0x380, $0x38;
	[tilespmem:$0x10700] =	vst v63  }
0x25: {  	_ =	swait.ge [sflag:s30], $0x380  }
0x26: {  	[sflag:s30] =	ssyncset.done $0x0  }
0x27: {  	[sflag:s30] =	ssyncadd.s32 $0xFFFFFC80  }
0x28: {  	[tilespmem:s9], [sflag:$0x1] =	stream.indirect.gather [hbm4b:s3+s12], $0x80, s2, s12, $0xb8;
	[tilespmem:$0x10700] =	vst v63  }
0x29: {  	_ = 	snop  }
0x2a: {  	[tilespmem:s5], [sflag:$0x2] =	stream.indirect.gather [hbm4b:s7+s12], $0x80, s29, s12, $0xb8;
	[tilespmem:$0x10700] =	vst v63  }
0x2b: {  	_ = 	snop  }
0x2c: {  	[tilespmem:s15], [sflag:$0x3] =	stream.indirect.gather [hbm4b:s3+s12], $0x80, s12, s12, $0xb8;
	[tilespmem:$0x10700] =	vst v63  }
0x2d: {  	_ = 	snop  }
0x2e: {  	[tilespmem:s14], [sflag:$0x4] =	stream.indirect.gather [hbm4b:s7+s12], $0x80, s31, s12, $0xb8;
	[tilespmem:$0x10700] =	vst v63  }
0x2f: {  	_ =	swait.ge [sflag:s13], $0x4000  }
0x30: {  	[sflag:s13] =	ssyncset.done $0x0  }
0x31: {  	s0 =	rddreg [dreg:$0x6];
	[sflag:s13] =	ssyncadd.s32 $0xFFFFC000  }
0x32: {  	[hbm4b:s0+s2] =	stream.linear.scatter [tilespmem:s9], [sflag:$0x5], $0x4000, $0x38;
	[tilespmem:$0x10700] =	vst v63  }
0x33: {  	_ =	swait.ge [sflag:s11], $0x4000  }
0x34: {  	[sflag:s11] =	ssyncset.done $0x0  }
0x35: {  	s0 =	rddreg [dreg:$0x7];
	[sflag:s11] =	ssyncadd.s32 $0xFFFFC000  }
0x36: {  	[hbm4b:s0+s2] =	stream.linear.scatter [tilespmem:s5], [sflag:$0x6], $0x4000, $0x38;
	[tilespmem:$0x10700] =	vst v63  }
0x37: {  	_ =	swait.ge [sflag:s17], $0x4000  }
0x38: {  	[sflag:s17] =	ssyncset.done $0x0  }
0x39: {  	s0 =	rddreg [dreg:$0x8];
	[sflag:s17] =	ssyncadd.s32 $0xFFFFC000  }
0x3a: {  	[hbm4b:s0+s2] =	stream.linear.scatter [tilespmem:s15], [sflag:$0x7], $0x4000, $0x38;
	[tilespmem:$0x10700] =	vst v63  }
0x3b: {  	_ =	swait.ge [sflag:s16], $0x4000  }
0x3c: {  	[sflag:s16] =	ssyncset.done $0x0  }
0x3d: {  	s0 =	rddreg [dreg:$0x9];
	[sflag:s16] =	ssyncadd.s32 $0xFFFFC000  }
0x3e: {  	[hbm4b:s0+s2] =	stream.linear.scatter [tilespmem:s14], [sflag:$0x8], $0x4000, $0x38;
	[tilespmem:$0x10700] =	vst v63  }
0x3f: {  	_ =	swait.ge [sflag:s10], $0x4000  }
0x40: {  	[sflag:s10] =	ssyncset.done $0x0  }
0x41: {  	[sflag:s10] =	ssyncadd.s32 $0xFFFFC000  }
0x42: {  	_ =	swait.ge [sflag:s8], $0x4000  }
0x43: {  	[sflag:s8] =	ssyncset.done $0x0  }
0x44: {  	[sflag:s8] =	ssyncadd.s32 $0xFFFFC000  }
0x45: {  	_ =	swait.ge [sflag:s6], $0x4000  }
0x46: {  	[sflag:s6] =	ssyncset.done $0x0  }
0x47: {  	[sflag:s6] =	ssyncadd.s32 $0xFFFFC000  }
0x48: {  	_ =	swait.ge [sflag:s4], $0x4000  }
0x49: {  	[sflag:s4] =	ssyncset.done $0x0  }
0x4a: {  	[sflag:s4] =	ssyncadd.s32 $0xFFFFC000  }
0x4b: {  	[tilespmem:s9], [sflag:$0x1] =	stream.indirect.gather [hbm4b:s3+s12], $0x80, s24, s12, $0xb8;
	[tilespmem:$0x10700] =	vst v63  }
0x4c: {  	_ = 	snop  }
0x4d: {  	[tilespmem:s5], [sflag:$0x2] =	stream.indirect.gather [hbm4b:s7+s12], $0x80, s25, s12, $0xb8;
	[tilespmem:$0x10700] =	vst v63  }
0x4e: {  	_ = 	snop  }
0x4f: {  	[tilespmem:s15], [sflag:$0x3] =	stream.indirect.gather [hbm4b:s3+s12], $0x80, s26, s12, $0xb8;
	[tilespmem:$0x10700] =	vst v63  }
0x50: {  	_ = 	snop  }
0x51: {  	[tilespmem:s14], [sflag:$0x4] =	stream.indirect.gather [hbm4b:s7+s12], $0x80, s28, s12, $0xb8;
	[tilespmem:$0x10700] =	vst v63  }
0x52: {  	_ =	swait.ge [sflag:s13], $0x4000  }
0x53: {  	[sflag:s13] =	ssyncset.done $0x0  }
0x54: {  	s0 =	rddreg [dreg:$0xa];
	[sflag:s13] =	ssyncadd.s32 $0xFFFFC000  }
0x55: {  	[hbm4b:s0+s2] =	stream.linear.scatter [tilespmem:s9], [sflag:$0x5], $0x4000, $0x38;
	[tilespmem:$0x10700] =	vst v63  }
0x56: {  	_ =	swait.ge [sflag:s11], $0x4000  }
0x57: {  	[sflag:s11] =	ssyncset.done $0x0  }
0x58: {  	s0 =	rddreg [dreg:$0xb];
	[sflag:s11] =	ssyncadd.s32 $0xFFFFC000  }
0x59: {  	[hbm4b:s0+s2] =	stream.linear.scatter [tilespmem:s5], [sflag:$0x6], $0x4000, $0x38;
	[tilespmem:$0x10700] =	vst v63  }
0x5a: {  	_ =	swait.ge [sflag:s17], $0x4000  }
0x5b: {  	[sflag:s17] =	ssyncset.done $0x0  }
0x5c: {  	s0 =	rddreg [dreg:$0xc];
	[sflag:s17] =	ssyncadd.s32 $0xFFFFC000  }
0x5d: {  	[hbm4b:s0+s2] =	stream.linear.scatter [tilespmem:s15], [sflag:$0x7], $0x4000, $0x38;
	[tilespmem:$0x10700] =	vst v63  }
0x5e: {  	_ =	swait.ge [sflag:s16], $0x4000  }
0x5f: {  	[sflag:s16] =	ssyncset.done $0x0  }
0x60: {  	s0 =	rddreg [dreg:$0xd];
	[sflag:s16] =	ssyncadd.s32 $0xFFFFC000  }
0x61: {  	[hbm4b:s0+s2] =	stream.linear.scatter [tilespmem:s14], [sflag:$0x8], $0x4000, $0x38;
	[tilespmem:$0x10700] =	vst v63  }
0x62: {  	_ =	swait.ge [sflag:s10], $0x4000  }
0x63: {  	[sflag:s10] =	ssyncset.done $0x0  }
0x64: {  	[sflag:s10] =	ssyncadd.s32 $0xFFFFC000  }
0x65: {  	_ =	swait.ge [sflag:s8], $0x4000  }
0x66: {  	[sflag:s8] =	ssyncset.done $0x0  }
0x67: {  	[sflag:s8] =	ssyncadd.s32 $0xFFFFC000  }
0x68: {  	_ =	swait.ge [sflag:s6], $0x4000  }
0x69: {  	[sflag:s6] =	ssyncset.done $0x0  }
0x6a: {  	[sflag:s6] =	ssyncadd.s32 $0xFFFFC000  }
0x6b: {  	_ =	swait.ge [sflag:s4], $0x4000  }
0x6c: {  	[sflag:s4] =	ssyncset.done $0x0  }
0x6d: {  	[sflag:s4] =	ssyncadd.s32 $0xFFFFC000  }
0x6e: {  	[tilespmem:s9], [sflag:$0x1] =	stream.indirect.gather [hbm4b:s3+s12], $0x80, s20, s12, $0xb8;
	[tilespmem:$0x10700] =	vst v63  }
0x6f: {  	_ = 	snop  }
0x70: {  	[tilespmem:s5], [sflag:$0x2] =	stream.indirect.gather [hbm4b:s7+s12], $0x80, s21, s12, $0xb8;
	[tilespmem:$0x10700] =	vst v63  }
0x71: {  	_ = 	snop  }
0x72: {  	[tilespmem:s15], [sflag:$0x3] =	stream.indirect.gather [hbm4b:s3+s12], $0x80, s22, s12, $0xb8;
	[tilespmem:$0x10700] =	vst v63  }
0x73: {  	_ = 	snop  }
0x74: {  	[tilespmem:s14], [sflag:$0x4] =	stream.indirect.gather [hbm4b:s7+s12], $0x80, s23, s12, $0xb8;
	[tilespmem:$0x10700] =	vst v63  }
0x75: {  	_ =	swait.ge [sflag:s13], $0x4000  }
0x76: {  	[sflag:s13] =	ssyncset.done $0x0  }
0x77: {  	s0 =	rddreg [dreg:$0xe];
	[sflag:s13] =	ssyncadd.s32 $0xFFFFC000  }
0x78: {  	[hbm4b:s0+s2] =	stream.linear.scatter [tilespmem:s9], [sflag:$0x5], $0x4000, $0x38;
	[tilespmem:$0x10700] =	vst v63  }
0x79: {  	_ =	swait.ge [sflag:s11], $0x4000  }
0x7a: {  	[sflag:s11] =	ssyncset.done $0x0  }
0x7b: {  	s0 =	rddreg [dreg:$0xf];
	[sflag:s11] =	ssyncadd.s32 $0xFFFFC000  }
0x7c: {  	[hbm4b:s0+s2] =	stream.linear.scatter [tilespmem:s5], [sflag:$0x6], $0x4000, $0x38;
	[tilespmem:$0x10700] =	vst v63  }
0x7d: {  	_ =	swait.ge [sflag:s17], $0x4000  }
0x7e: {  	[sflag:s17] =	ssyncset.done $0x0  }
0x7f: {  	s0 =	rddreg [dreg:$0x10];
	[sflag:s17] =	ssyncadd.s32 $0xFFFFC000  }
0x80: {  	[hbm4b:s0+s2] =	stream.linear.scatter [tilespmem:s15], [sflag:$0x7], $0x4000, $0x38;
	[tilespmem:$0x10700] =	vst v63  }
0x81: {  	_ =	swait.ge [sflag:s16], $0x4000  }
0x82: {  	[sflag:s16] =	ssyncset.done $0x0  }
0x83: {  	s0 =	rddreg [dreg:$0x11];
	[sflag:s16] =	ssyncadd.s32 $0xFFFFC000  }
0x84: {  	[hbm4b:s0+s2] =	stream.linear.scatter [tilespmem:s14], [sflag:$0x8], $0x4000, $0x38;
	[tilespmem:$0x10700] =	vst v63  }
0x85: {  	_ =	swait.ge [sflag:s10], $0x4000  }
0x86: {  	[sflag:s10] =	ssyncset.done $0x0  }
0x87: {  	[sflag:s10] =	ssyncadd.s32 $0xFFFFC000  }
0x88: {  	_ =	swait.ge [sflag:s8], $0x4000  }
0x89: {  	[sflag:s8] =	ssyncset.done $0x0  }
0x8a: {  	[sflag:s8] =	ssyncadd.s32 $0xFFFFC000  }
0x8b: {  	[tilespmem:s9], [sflag:$0x1] =	stream.indirect.gather [hbm4b:s3+s12], $0x80, s18, s12, $0xb8;
	[tilespmem:$0x10700] =	vst v63  }
0x8c: {  	_ = 	snop  }
0x8d: {  	[tilespmem:s5], [sflag:$0x2] =	stream.indirect.gather [hbm4b:s7+s12], $0x80, s19, s12, $0xb8;
	[tilespmem:$0x10700] =	vst v63  }
0x8e: {  	_ =	swait.ge [sflag:s13], $0x4000  }
0x8f: {  	[sflag:s13] =	ssyncset.done $0x0  }
0x90: {  	s0 =	rddreg [dreg:$0x4];
	[sflag:s13] =	ssyncadd.s32 $0xFFFFC000  }
0x91: {  	[hbm4b:s0+s2] =	stream.linear.scatter [tilespmem:s9], [sflag:$0x5], $0x4000, $0x38;
	[tilespmem:$0x10700] =	vst v63  }
0x92: {  	_ =	swait.ge [sflag:s11], $0x4000  }
0x93: {  	[sflag:s11] =	ssyncset.done $0x0  }
0x94: {  	s0 =	rddreg [dreg:$0x5];
	[sflag:s11] =	ssyncadd.s32 $0xFFFFC000  }
0x95: {  	[hbm4b:s0+s2] =	stream.linear.scatter [tilespmem:s5], [sflag:$0x6], $0x4000, $0x38;
	[tilespmem:$0x10700] =	vst v63  }
0x96: {  	_ =	swait.ge [sflag:s10], $0x4000  }
0x97: {  	[sflag:s10] =	ssyncset.done $0x0  }
0x98: {  	[sflag:s10] =	ssyncadd.s32 $0xFFFFC000  }
0x99: {  	_ =	swait.ge [sflag:s8], $0x4000  }
0x9a: {  	[sflag:s8] =	ssyncset.done $0x0  }
0x9b: {  	p1 =	sne.s32 s1, $0x1;
	[sflag:s8] =	ssyncadd.s32 $0xFFFFC000  }
.Ltmp1:
0x9c: {  	_ =	swait.ge [sflag:s6], $0x4000;
	(pc) =	sbr.rel @!p1 .LBB2_3-.Ltmp1, $4  }
0x9d: {  	[sflag:s6] =	ssyncset.done $0x0  }
0x9e: {  	[sflag:s6] =	ssyncadd.s32 $0xFFFFC000  }
0x9f: {  	s1 =	sadd.s32 $0xFFFFFFFF, s1;
	_ =	swait.ge [sflag:s4], $0x4000  }
0xa0: {  	p0 =	por $0x1, $0x1;
	s0 =	rddreg [dreg:$0x2];
	[sflag:s4] =	ssyncset.done $0x0  }
.LBB2_2:
0xa1: {  	[sflag:s4] =	ssyncadd.s32 $0xFFFFC000  }
0xa2: {  	[tilespmem:s2], [sflag:$0x9] =	stream.linear.gather [hbm4b:s0+s2], $0x380, $0x38;
	[tilespmem:$0x10700] =	vst v63  }
0xa3: {  	_ =	swait.ge [sflag:s30], $0x380  }
0xa4: {  	[sflag:s30] =	ssyncset.done $0x0  }
0xa5: {  	s0 =	rddreg [dreg:$0x3];
	[sflag:s30] =	ssyncadd.s32 $0xFFFFFC80  }
0xa6: {  	[tilespmem:s29], [sflag:$0x9] =	stream.linear.gather [hbm4b:s0+s2], $0x380, $0x38;
	[tilespmem:$0x10700] =	vst v63  }
0xa7: {  	_ =	swait.ge [sflag:s30], $0x380  }
0xa8: {  	[sflag:s30] =	ssyncset.done $0x0  }
0xa9: {  	[sflag:s30] =	ssyncadd.s32 $0xFFFFFC80  }
0xaa: {  	[tilespmem:s9], [sflag:$0x1] =	stream.indirect.gather [hbm4b:s3+s12], $0x80, s2, s12, $0xb8;
	[tilespmem:$0x10700] =	vst v63  }
0xab: {  	_ = 	snop  }
0xac: {  	[tilespmem:s5], [sflag:$0x2] =	stream.indirect.gather [hbm4b:s7+s12], $0x80, s29, s12, $0xb8;
	[tilespmem:$0x10700] =	vst v63  }
0xad: {  	_ = 	snop  }
0xae: {  	[tilespmem:s15], [sflag:$0x3] =	stream.indirect.gather [hbm4b:s3+s12], $0x80, s12, s12, $0xb8;
	[tilespmem:$0x10700] =	vst v63  }
0xaf: {  	_ = 	snop  }
0xb0: {  	[tilespmem:s14], [sflag:$0x4] =	stream.indirect.gather [hbm4b:s7+s12], $0x80, s31, s12, $0xb8;
	[tilespmem:$0x10700] =	vst v63  }
0xb1: {  	_ =	swait.ge [sflag:s13], $0x4000  }
0xb2: {  	[sflag:s13] =	ssyncset.done $0x0  }
0xb3: {  	s0 =	rddreg [dreg:$0x6];
	[sflag:s13] =	ssyncadd.s32 $0xFFFFC000  }
0xb4: {  	[hbm4b:s0+s2] =	stream.linear.scatter [tilespmem:s9], [sflag:$0x5], $0x4000, $0x38;
	[tilespmem:$0x10700] =	vst v63  }
0xb5: {  	_ =	swait.ge [sflag:s11], $0x4000  }
0xb6: {  	[sflag:s11] =	ssyncset.done $0x0  }
0xb7: {  	s0 =	rddreg [dreg:$0x7];
	[sflag:s11] =	ssyncadd.s32 $0xFFFFC000  }
0xb8: {  	[hbm4b:s0+s2] =	stream.linear.scatter [tilespmem:s5], [sflag:$0x6], $0x4000, $0x38;
	[tilespmem:$0x10700] =	vst v63  }
0xb9: {  	_ =	swait.ge [sflag:s17], $0x4000  }
0xba: {  	[sflag:s17] =	ssyncset.done $0x0  }
0xbb: {  	s0 =	rddreg [dreg:$0x8];
	[sflag:s17] =	ssyncadd.s32 $0xFFFFC000  }
0xbc: {  	[hbm4b:s0+s2] =	stream.linear.scatter [tilespmem:s15], [sflag:$0x7], $0x4000, $0x38;
	[tilespmem:$0x10700] =	vst v63  }
0xbd: {  	_ =	swait.ge [sflag:s16], $0x4000  }
0xbe: {  	[sflag:s16] =	ssyncset.done $0x0  }
0xbf: {  	s0 =	rddreg [dreg:$0x9];
	[sflag:s16] =	ssyncadd.s32 $0xFFFFC000  }
0xc0: {  	[hbm4b:s0+s2] =	stream.linear.scatter [tilespmem:s14], [sflag:$0x8], $0x4000, $0x38;
	[tilespmem:$0x10700] =	vst v63  }
0xc1: {  	_ =	swait.ge [sflag:s10], $0x4000  }
0xc2: {  	[sflag:s10] =	ssyncset.done $0x0  }
0xc3: {  	[sflag:s10] =	ssyncadd.s32 $0xFFFFC000  }
0xc4: {  	_ =	swait.ge [sflag:s8], $0x4000  }
0xc5: {  	[sflag:s8] =	ssyncset.done $0x0  }
0xc6: {  	[sflag:s8] =	ssyncadd.s32 $0xFFFFC000  }
0xc7: {  	_ =	swait.ge [sflag:s6], $0x4000  }
0xc8: {  	[sflag:s6] =	ssyncset.done $0x0  }
0xc9: {  	[sflag:s6] =	ssyncadd.s32 $0xFFFFC000  }
0xca: {  	_ =	swait.ge [sflag:s4], $0x4000  }
0xcb: {  	[sflag:s4] =	ssyncset.done $0x0  }
0xcc: {  	[sflag:s4] =	ssyncadd.s32 $0xFFFFC000  }
0xcd: {  	[tilespmem:s9], [sflag:$0x1] =	stream.indirect.gather [hbm4b:s3+s12], $0x80, s24, s12, $0xb8;
	[tilespmem:$0x10700] =	vst v63  }
0xce: {  	_ = 	snop  }
0xcf: {  	[tilespmem:s5], [sflag:$0x2] =	stream.indirect.gather [hbm4b:s7+s12], $0x80, s25, s12, $0xb8;
	[tilespmem:$0x10700] =	vst v63  }
0xd0: {  	_ = 	snop  }
0xd1: {  	[tilespmem:s15], [sflag:$0x3] =	stream.indirect.gather [hbm4b:s3+s12], $0x80, s26, s12, $0xb8;
	[tilespmem:$0x10700] =	vst v63  }
0xd2: {  	_ = 	snop  }
0xd3: {  	[tilespmem:s14], [sflag:$0x4] =	stream.indirect.gather [hbm4b:s7+s12], $0x80, s28, s12, $0xb8;
	[tilespmem:$0x10700] =	vst v63  }
0xd4: {  	_ =	swait.ge [sflag:s13], $0x4000  }
0xd5: {  	[sflag:s13] =	ssyncset.done $0x0  }
0xd6: {  	s0 =	rddreg [dreg:$0xa];
	[sflag:s13] =	ssyncadd.s32 $0xFFFFC000  }
0xd7: {  	[hbm4b:s0+s2] =	stream.linear.scatter [tilespmem:s9], [sflag:$0x5], $0x4000, $0x38;
	[tilespmem:$0x10700] =	vst v63  }
0xd8: {  	_ =	swait.ge [sflag:s11], $0x4000  }
0xd9: {  	[sflag:s11] =	ssyncset.done $0x0  }
0xda: {  	s0 =	rddreg [dreg:$0xb];
	[sflag:s11] =	ssyncadd.s32 $0xFFFFC000  }
0xdb: {  	[hbm4b:s0+s2] =	stream.linear.scatter [tilespmem:s5], [sflag:$0x6], $0x4000, $0x38;
	[tilespmem:$0x10700] =	vst v63  }
0xdc: {  	_ =	swait.ge [sflag:s17], $0x4000  }
0xdd: {  	[sflag:s17] =	ssyncset.done $0x0  }
0xde: {  	s0 =	rddreg [dreg:$0xc];
	[sflag:s17] =	ssyncadd.s32 $0xFFFFC000  }
0xdf: {  	[hbm4b:s0+s2] =	stream.linear.scatter [tilespmem:s15], [sflag:$0x7], $0x4000, $0x38;
	[tilespmem:$0x10700] =	vst v63  }
0xe0: {  	_ =	swait.ge [sflag:s16], $0x4000  }
0xe1: {  	[sflag:s16] =	ssyncset.done $0x0  }
0xe2: {  	s0 =	rddreg [dreg:$0xd];
	[sflag:s16] =	ssyncadd.s32 $0xFFFFC000  }
0xe3: {  	[hbm4b:s0+s2] =	stream.linear.scatter [tilespmem:s14], [sflag:$0x8], $0x4000, $0x38;
	[tilespmem:$0x10700] =	vst v63  }
0xe4: {  	_ =	swait.ge [sflag:s10], $0x4000  }
0xe5: {  	[sflag:s10] =	ssyncset.done $0x0  }
0xe6: {  	[sflag:s10] =	ssyncadd.s32 $0xFFFFC000  }
0xe7: {  	_ =	swait.ge [sflag:s8], $0x4000  }
0xe8: {  	[sflag:s8] =	ssyncset.done $0x0  }
0xe9: {  	[sflag:s8] =	ssyncadd.s32 $0xFFFFC000  }
0xea: {  	_ =	swait.ge [sflag:s6], $0x4000  }
0xeb: {  	[sflag:s6] =	ssyncset.done $0x0  }
0xec: {  	[sflag:s6] =	ssyncadd.s32 $0xFFFFC000  }
0xed: {  	_ =	swait.ge [sflag:s4], $0x4000  }
0xee: {  	[sflag:s4] =	ssyncset.done $0x0  }
0xef: {  	[sflag:s4] =	ssyncadd.s32 $0xFFFFC000  }
0xf0: {  	[tilespmem:s9], [sflag:$0x1] =	stream.indirect.gather [hbm4b:s3+s12], $0x80, s20, s12, $0xb8;
	[tilespmem:$0x10700] =	vst v63  }
0xf1: {  	_ = 	snop  }
0xf2: {  	[tilespmem:s5], [sflag:$0x2] =	stream.indirect.gather [hbm4b:s7+s12], $0x80, s21, s12, $0xb8;
	[tilespmem:$0x10700] =	vst v63  }
0xf3: {  	_ = 	snop  }
0xf4: {  	[tilespmem:s15], [sflag:$0x3] =	stream.indirect.gather [hbm4b:s3+s12], $0x80, s22, s12, $0xb8;
	[tilespmem:$0x10700] =	vst v63  }
0xf5: {  	_ = 	snop  }
0xf6: {  	[tilespmem:s14], [sflag:$0x4] =	stream.indirect.gather [hbm4b:s7+s12], $0x80, s23, s12, $0xb8;
	[tilespmem:$0x10700] =	vst v63  }
0xf7: {  	_ =	swait.ge [sflag:s13], $0x4000  }
0xf8: {  	[sflag:s13] =	ssyncset.done $0x0  }
0xf9: {  	s0 =	rddreg [dreg:$0xe];
	[sflag:s13] =	ssyncadd.s32 $0xFFFFC000  }
0xfa: {  	[hbm4b:s0+s2] =	stream.linear.scatter [tilespmem:s9], [sflag:$0x5], $0x4000, $0x38;
	[tilespmem:$0x10700] =	vst v63  }
0xfb: {  	_ =	swait.ge [sflag:s11], $0x4000  }
0xfc: {  	[sflag:s11] =	ssyncset.done $0x0  }
0xfd: {  	s0 =	rddreg [dreg:$0xf];
	[sflag:s11] =	ssyncadd.s32 $0xFFFFC000  }
0xfe: {  	[hbm4b:s0+s2] =	stream.linear.scatter [tilespmem:s5], [sflag:$0x6], $0x4000, $0x38;
	[tilespmem:$0x10700] =	vst v63  }
0xff: {  	_ =	swait.ge [sflag:s17], $0x4000  }
0x100: {  	[sflag:s17] =	ssyncset.done $0x0  }
0x101: {  	s0 =	rddreg [dreg:$0x10];
	[sflag:s17] =	ssyncadd.s32 $0xFFFFC000  }
0x102: {  	[hbm4b:s0+s2] =	stream.linear.scatter [tilespmem:s15], [sflag:$0x7], $0x4000, $0x38;
	[tilespmem:$0x10700] =	vst v63  }
0x103: {  	_ =	swait.ge [sflag:s16], $0x4000  }
0x104: {  	[sflag:s16] =	ssyncset.done $0x0  }
0x105: {  	s0 =	rddreg [dreg:$0x11];
	[sflag:s16] =	ssyncadd.s32 $0xFFFFC000  }
0x106: {  	[hbm4b:s0+s2] =	stream.linear.scatter [tilespmem:s14], [sflag:$0x8], $0x4000, $0x38;
	[tilespmem:$0x10700] =	vst v63  }
0x107: {  	_ =	swait.ge [sflag:s10], $0x4000  }
0x108: {  	[sflag:s10] =	ssyncset.done $0x0  }
0x109: {  	[sflag:s10] =	ssyncadd.s32 $0xFFFFC000  }
0x10a: {  	_ =	swait.ge [sflag:s8], $0x4000  }
0x10b: {  	[sflag:s8] =	ssyncset.done $0x0  }
0x10c: {  	[sflag:s8] =	ssyncadd.s32 $0xFFFFC000  }
0x10d: {  	[tilespmem:s9], [sflag:$0x1] =	stream.indirect.gather [hbm4b:s3+s12], $0x80, s18, s12, $0xb8;
	[tilespmem:$0x10700] =	vst v63  }
0x10e: {  	_ = 	snop  }
0x10f: {  	[tilespmem:s5], [sflag:$0x2] =	stream.indirect.gather [hbm4b:s7+s12], $0x80, s19, s12, $0xb8;
	[tilespmem:$0x10700] =	vst v63  }
0x110: {  	_ =	swait.ge [sflag:s13], $0x4000  }
0x111: {  	[sflag:s13] =	ssyncset.done $0x0  }
0x112: {  	s0 =	rddreg [dreg:$0x4];
	[sflag:s13] =	ssyncadd.s32 $0xFFFFC000  }
0x113: {  	[hbm4b:s0+s2] =	stream.linear.scatter [tilespmem:s9], [sflag:$0x5], $0x4000, $0x38;
	[tilespmem:$0x10700] =	vst v63  }
0x114: {  	_ =	swait.ge [sflag:s11], $0x4000  }
0x115: {  	[sflag:s11] =	ssyncset.done $0x0  }
0x116: {  	s0 =	rddreg [dreg:$0x5];
	[sflag:s11] =	ssyncadd.s32 $0xFFFFC000  }
0x117: {  	[hbm4b:s0+s2] =	stream.linear.scatter [tilespmem:s5], [sflag:$0x6], $0x4000, $0x38;
	[tilespmem:$0x10700] =	vst v63  }
0x118: {  	_ =	swait.ge [sflag:s10], $0x4000  }
0x119: {  	[sflag:s10] =	ssyncset.done $0x0  }
0x11a: {  	[sflag:s10] =	ssyncadd.s32 $0xFFFFC000  }
0x11b: {  	_ =	swait.ge [sflag:s8], $0x4000  }
0x11c: {  	[sflag:s8] =	ssyncset.done $0x0  }
0x11d: {  	p1 =	sne.s32 s1, $0x1;
	[sflag:s8] =	ssyncadd.s32 $0xFFFFC000  }
.Ltmp2:
0x11e: {  	_ =	swait.ge [sflag:s6], $0x4000;
	(pc) =	sbr.rel @p1 .LBB2_2-.Ltmp2, $4  }
0x11f: {  	[sflag:s6] =	ssyncset.done $0x0  }
0x120: {  	[sflag:s6] =	ssyncadd.s32 $0xFFFFC000  }
0x121: {  	_ =	swait.ge [sflag:s4], $0x4000  }
0x122: {  	s1 =	sadd.s32 $0xFFFFFFFF, s1;
	s0 =	rddreg [dreg:$0x2];
	[sflag:s4] =	ssyncset.done $0x0  }
.LBB2_3:
0x123: {  	[sflag:s4] =	ssyncadd.s32 @p0 $0xFFFFC000  }
0x124: {  	[tilespmem:s2], [sflag:$0x9] =	stream.linear.gather [hbm4b:s0+s2], $0x380, $0x38;
	[tilespmem:$0x10700] =	vst v63  }
0x125: {  	_ =	swait.ge [sflag:s30], $0x380  }
0x126: {  	[sflag:s30] =	ssyncset.done $0x0  }
0x127: {  	s1 =	rddreg [dreg:$0x3];
	[sflag:s30] =	ssyncadd.s32 $0xFFFFFC80  }
0x128: {  	[tilespmem:s29], [sflag:$0x9] =	stream.linear.gather [hbm4b:s1+s2], $0x380, $0x38;
	[tilespmem:$0x10700] =	vst v63  }
0x129: {  	_ =	swait.ge [sflag:s30], $0x380  }
0x12a: {  	[sflag:s30] =	ssyncset.done $0x0  }
0x12b: {  	[sflag:s30] =	ssyncadd.s32 $0xFFFFFC80  }
0x12c: {  	[tilespmem:s9], [sflag:$0x1] =	stream.indirect.gather [hbm4b:s3+s12], $0x80, s2, s12, $0xb8;
	[tilespmem:$0x10700] =	vst v63  }
0x12d: {  	_ = 	snop  }
0x12e: {  	[tilespmem:s5], [sflag:$0x2] =	stream.indirect.gather [hbm4b:s7+s12], $0x80, s29, s12, $0xb8;
	[tilespmem:$0x10700] =	vst v63  }
0x12f: {  	_ = 	snop  }
0x130: {  	[tilespmem:s15], [sflag:$0x3] =	stream.indirect.gather [hbm4b:s3+s12], $0x80, s12, s12, $0xb8;
	[tilespmem:$0x10700] =	vst v63  }
0x131: {  	_ = 	snop  }
0x132: {  	[tilespmem:s14], [sflag:$0x4] =	stream.indirect.gather [hbm4b:s7+s12], $0x80, s31, s12, $0xb8;
	[tilespmem:$0x10700] =	vst v63  }
0x133: {  	_ =	swait.ge [sflag:s13], $0x4000  }
0x134: {  	[sflag:s13] =	ssyncset.done $0x0  }
0x135: {  	s29 =	rddreg [dreg:$0x6];
	[sflag:s13] =	ssyncadd.s32 $0xFFFFC000  }
0x136: {  	[hbm4b:s29+s2] =	stream.linear.scatter [tilespmem:s9], [sflag:$0x5], $0x4000, $0x38;
	[tilespmem:$0x10700] =	vst v63  }
0x137: {  	_ =	swait.ge [sflag:s11], $0x4000  }
0x138: {  	[sflag:s11] =	ssyncset.done $0x0  }
0x139: {  	s30 =	rddreg [dreg:$0x7];
	[sflag:s11] =	ssyncadd.s32 $0xFFFFC000  }
0x13a: {  	[hbm4b:s30+s2] =	stream.linear.scatter [tilespmem:s5], [sflag:$0x6], $0x4000, $0x38;
	[tilespmem:$0x10700] =	vst v63  }
0x13b: {  	_ =	swait.ge [sflag:s17], $0x4000  }
0x13c: {  	[sflag:s17] =	ssyncset.done $0x0  }
0x13d: {  	s31 =	rddreg [dreg:$0x8];
	[sflag:s17] =	ssyncadd.s32 $0xFFFFC000  }
0x13e: {  	[hbm4b:s31+s2] =	stream.linear.scatter [tilespmem:s15], [sflag:$0x7], $0x4000, $0x38;
	[tilespmem:$0x10700] =	vst v63  }
0x13f: {  	_ =	swait.ge [sflag:s16], $0x4000  }
0x140: {  	[sflag:s16] =	ssyncset.done $0x0  }
0x141: {  	s1 =	rddreg [dreg:$0x9];
	[sflag:s16] =	ssyncadd.s32 $0xFFFFC000  }
0x142: {  	[hbm4b:s1+s2] =	stream.linear.scatter [tilespmem:s14], [sflag:$0x8], $0x4000, $0x38;
	[tilespmem:$0x10700] =	vst v63  }
0x143: {  	_ =	swait.ge [sflag:s10], $0x4000  }
0x144: {  	[sflag:s10] =	ssyncset.done $0x0  }
0x145: {  	[sflag:s10] =	ssyncadd.s32 $0xFFFFC000  }
0x146: {  	_ =	swait.ge [sflag:s8], $0x4000  }
0x147: {  	[sflag:s8] =	ssyncset.done $0x0  }
0x148: {  	[sflag:s8] =	ssyncadd.s32 $0xFFFFC000  }
0x149: {  	_ =	swait.ge [sflag:s6], $0x4000  }
0x14a: {  	[sflag:s6] =	ssyncset.done $0x0  }
0x14b: {  	[sflag:s6] =	ssyncadd.s32 $0xFFFFC000  }
0x14c: {  	_ =	swait.ge [sflag:s4], $0x4000  }
0x14d: {  	[sflag:s4] =	ssyncset.done $0x0  }
0x14e: {  	[sflag:s4] =	ssyncadd.s32 $0xFFFFC000  }
0x14f: {  	[tilespmem:s9], [sflag:$0x1] =	stream.indirect.gather [hbm4b:s3+s12], $0x80, s24, s12, $0xb8;
	[tilespmem:$0x10700] =	vst v63  }
0x150: {  	_ = 	snop  }
0x151: {  	[tilespmem:s5], [sflag:$0x2] =	stream.indirect.gather [hbm4b:s7+s12], $0x80, s25, s12, $0xb8;
	[tilespmem:$0x10700] =	vst v63  }
0x152: {  	_ = 	snop  }
0x153: {  	[tilespmem:s15], [sflag:$0x3] =	stream.indirect.gather [hbm4b:s3+s12], $0x80, s26, s12, $0xb8;
	[tilespmem:$0x10700] =	vst v63  }
0x154: {  	_ = 	snop  }
0x155: {  	[tilespmem:s14], [sflag:$0x4] =	stream.indirect.gather [hbm4b:s7+s12], $0x80, s28, s12, $0xb8;
	[tilespmem:$0x10700] =	vst v63  }
0x156: {  	_ =	swait.ge [sflag:s13], $0x4000  }
0x157: {  	[sflag:s13] =	ssyncset.done $0x0  }
0x158: {  	s29 =	rddreg [dreg:$0xa];
	[sflag:s13] =	ssyncadd.s32 $0xFFFFC000  }
0x159: {  	[hbm4b:s29+s2] =	stream.linear.scatter [tilespmem:s9], [sflag:$0x5], $0x4000, $0x38;
	[tilespmem:$0x10700] =	vst v63  }
0x15a: {  	_ =	swait.ge [sflag:s11], $0x4000  }
0x15b: {  	[sflag:s11] =	ssyncset.done $0x0  }
0x15c: {  	s30 =	rddreg [dreg:$0xb];
	[sflag:s11] =	ssyncadd.s32 $0xFFFFC000  }
0x15d: {  	[hbm4b:s30+s2] =	stream.linear.scatter [tilespmem:s5], [sflag:$0x6], $0x4000, $0x38;
	[tilespmem:$0x10700] =	vst v63  }
0x15e: {  	_ =	swait.ge [sflag:s17], $0x4000  }
0x15f: {  	[sflag:s17] =	ssyncset.done $0x0  }
0x160: {  	s31 =	rddreg [dreg:$0xc];
	[sflag:s17] =	ssyncadd.s32 $0xFFFFC000  }
0x161: {  	[hbm4b:s31+s2] =	stream.linear.scatter [tilespmem:s15], [sflag:$0x7], $0x4000, $0x38;
	[tilespmem:$0x10700] =	vst v63  }
0x162: {  	_ =	swait.ge [sflag:s16], $0x4000  }
0x163: {  	[sflag:s16] =	ssyncset.done $0x0  }
0x164: {  	s1 =	rddreg [dreg:$0xd];
	[sflag:s16] =	ssyncadd.s32 $0xFFFFC000  }
0x165: {  	[hbm4b:s1+s2] =	stream.linear.scatter [tilespmem:s14], [sflag:$0x8], $0x4000, $0x38;
	[tilespmem:$0x10700] =	vst v63  }
0x166: {  	_ =	swait.ge [sflag:s10], $0x4000  }
0x167: {  	[sflag:s10] =	ssyncset.done $0x0  }
0x168: {  	[sflag:s10] =	ssyncadd.s32 $0xFFFFC000  }
0x169: {  	_ =	swait.ge [sflag:s8], $0x4000  }
0x16a: {  	[sflag:s8] =	ssyncset.done $0x0  }
0x16b: {  	[sflag:s8] =	ssyncadd.s32 $0xFFFFC000  }
0x16c: {  	_ =	swait.ge [sflag:s6], $0x4000  }
0x16d: {  	[sflag:s6] =	ssyncset.done $0x0  }
0x16e: {  	[sflag:s6] =	ssyncadd.s32 $0xFFFFC000  }
0x16f: {  	_ =	swait.ge [sflag:s4], $0x4000  }
0x170: {  	[sflag:s4] =	ssyncset.done $0x0  }
0x171: {  	[sflag:s4] =	ssyncadd.s32 $0xFFFFC000  }
0x172: {  	[tilespmem:s9], [sflag:$0x1] =	stream.indirect.gather [hbm4b:s3+s12], $0x80, s20, s12, $0xb8;
	[tilespmem:$0x10700] =	vst v63  }
0x173: {  	_ = 	snop  }
0x174: {  	[tilespmem:s5], [sflag:$0x2] =	stream.indirect.gather [hbm4b:s7+s12], $0x80, s21, s12, $0xb8;
	[tilespmem:$0x10700] =	vst v63  }
0x175: {  	_ = 	snop  }
0x176: {  	[tilespmem:s15], [sflag:$0x3] =	stream.indirect.gather [hbm4b:s3+s12], $0x80, s22, s12, $0xb8;
	[tilespmem:$0x10700] =	vst v63  }
0x177: {  	_ = 	snop  }
0x178: {  	[tilespmem:s14], [sflag:$0x4] =	stream.indirect.gather [hbm4b:s7+s12], $0x80, s23, s12, $0xb8;
	[tilespmem:$0x10700] =	vst v63  }
0x179: {  	_ =	swait.ge [sflag:s13], $0x4000  }
0x17a: {  	[sflag:s13] =	ssyncset.done $0x0  }
0x17b: {  	s24 =	rddreg [dreg:$0xe];
	[sflag:s13] =	ssyncadd.s32 $0xFFFFC000  }
0x17c: {  	[hbm4b:s24+s2] =	stream.linear.scatter [tilespmem:s9], [sflag:$0x5], $0x4000, $0x38;
	[tilespmem:$0x10700] =	vst v63  }
0x17d: {  	_ =	swait.ge [sflag:s11], $0x4000  }
0x17e: {  	[sflag:s11] =	ssyncset.done $0x0  }
0x17f: {  	s25 =	rddreg [dreg:$0xf];
	[sflag:s11] =	ssyncadd.s32 $0xFFFFC000  }
0x180: {  	[hbm4b:s25+s2] =	stream.linear.scatter [tilespmem:s5], [sflag:$0x6], $0x4000, $0x38;
	[tilespmem:$0x10700] =	vst v63  }
0x181: {  	_ =	swait.ge [sflag:s17], $0x4000  }
0x182: {  	[sflag:s17] =	ssyncset.done $0x0  }
0x183: {  	s26 =	rddreg [dreg:$0x10];
	[sflag:s17] =	ssyncadd.s32 $0xFFFFC000  }
0x184: {  	[hbm4b:s26+s2] =	stream.linear.scatter [tilespmem:s15], [sflag:$0x7], $0x4000, $0x38;
	[tilespmem:$0x10700] =	vst v63  }
0x185: {  	_ =	swait.ge [sflag:s16], $0x4000  }
0x186: {  	[sflag:s16] =	ssyncset.done $0x0  }
0x187: {  	s28 =	rddreg [dreg:$0x11];
	[sflag:s16] =	ssyncadd.s32 $0xFFFFC000  }
0x188: {  	[hbm4b:s28+s2] =	stream.linear.scatter [tilespmem:s14], [sflag:$0x8], $0x4000, $0x38;
	[tilespmem:$0x10700] =	vst v63  }
0x189: {  	_ =	swait.ge [sflag:s10], $0x4000  }
0x18a: {  	[sflag:s10] =	ssyncset.done $0x0  }
0x18b: {  	[sflag:s10] =	ssyncadd.s32 $0xFFFFC000  }
0x18c: {  	_ =	swait.ge [sflag:s8], $0x4000  }
0x18d: {  	[sflag:s8] =	ssyncset.done $0x0  }
0x18e: {  	[sflag:s8] =	ssyncadd.s32 $0xFFFFC000  }
0x18f: {  	[tilespmem:s9], [sflag:$0x1] =	stream.indirect.gather [hbm4b:s3+s12], $0x80, s18, s12, $0xb8;
	[tilespmem:$0x10700] =	vst v63  }
0x190: {  	_ = 	snop  }
0x191: {  	[tilespmem:s5], [sflag:$0x2] =	stream.indirect.gather [hbm4b:s7+s12], $0x80, s19, s12, $0xb8;
	[tilespmem:$0x10700] =	vst v63  }
0x192: {  	_ =	swait.ge [sflag:s13], $0x4000  }
0x193: {  	[sflag:s13] =	ssyncset.done $0x0  }
0x194: {  	s29 =	rddreg [dreg:$0x4];
	[sflag:s13] =	ssyncadd.s32 $0xFFFFC000  }
0x195: {  	[hbm4b:s29+s2] =	stream.linear.scatter [tilespmem:s9], [sflag:$0x5], $0x4000, $0x38;
	[tilespmem:$0x10700] =	vst v63  }
0x196: {  	_ =	swait.ge [sflag:s11], $0x4000  }
0x197: {  	[sflag:s11] =	ssyncset.done $0x0  }
0x198: {  	s30 =	rddreg [dreg:$0x5];
	[sflag:s11] =	ssyncadd.s32 $0xFFFFC000  }
0x199: {  	[hbm4b:s30+s2] =	stream.linear.scatter [tilespmem:s5], [sflag:$0x6], $0x4000, $0x38;
	[tilespmem:$0x10700] =	vst v63  }
0x19a: {  	_ =	swait.ge [sflag:s10], $0x4000  }
0x19b: {  	[sflag:s10] =	ssyncset.done $0x0  }
0x19c: {  	[sflag:s10] =	ssyncadd.s32 $0xFFFFC000  }
0x19d: {  	_ =	swait.ge [sflag:s8], $0x4000  }
0x19e: {  	[sflag:s8] =	ssyncset.done $0x0  }
0x19f: {  	[sflag:s8] =	ssyncadd.s32 $0xFFFFC000  }
0x1a0: {  	_ =	swait.ge [sflag:s6], $0x4000  }
0x1a1: {  	[sflag:s6] =	ssyncset.done $0x0  }
0x1a2: {  	[sflag:s6] =	ssyncadd.s32 $0xFFFFC000  }
0x1a3: {  	_ =	swait.ge [sflag:s4], $0x4000  }
0x1a4: {  	[sflag:s4] =	ssyncset.done $0x0  }
0x1a5: {  	[sflag:s4] =	ssyncadd.s32 $0xFFFFC000  }
0x1a6: {  	_ =	sfence.sel $0x180000  }
0x1a7: {  	[bflag:$0x0] =	sbarrier.arrive $0xFFFF  }
0x1a8: {  	_ =	strace $0x90000047  }
0x1a9: {  	s31 =	stileid.u32;
	[bflag:$0x2] =	sbarrier.arrive $0xFFFF  }
0x1aa: {  	p0 =	sne.s32 s31, $0x0;
	s0 =	rddreg [dreg:$0x1]  }
0x1ab: {  	s0 =	sadd.s32 @!p0 $0x100000, s0  }
0x1ac: {  	[sflag:s0] =	ssyncadd.tile.s32 @!p0 $0x1;
	_ =	shalt  }
.Lfunc_end2:
_tile_overlayer_lowered:
.L_overlay_start_2:
0x1ad: {  	(tag) =	ssettag $0x2  }
0x1ae: {  	s0 =	rddreg [dreg:$0x0];
	s2 =	stileid.u32  }
0x1af: {  	s1 =	rddreg [dreg:$0x1];
	p0 =	sne.s32 s2, $0x0  }
0x1b0: {  	s3 =	rddreg [dreg:$0x2];
	[bflag:$0x3] =	sbarrier.arrive $0xFFFF;
	s2 =	simm.s32 @!p0 $0x1C09  }
0x1b1: {  	[timem:s3], [sflag:s2] =	dma.local @!p0 [hbm:s0], s1  }
0x1b2: {  	s0 =	simm.s32 @!p0 $0x9  }
0x1b3: {  	_ =	swait.ge @!p0 [sflag:s0], s1  }
0x1b4: {  	s1 =	ssub.s32 @!p0 $0x0, s1;
	[sflag:s0] =	ssyncset.done @!p0 $0x0  }
0x1b5: {  	[sflag:s0] =	ssyncadd.s32 @!p0 s1  }
0x1b6: {  	[bflag:$0x3] =	sbarrier.arrive $0xFFFF  }
0x1b7: {  	_ =	shalt  }

</sc_bundles>
